<compile_context>
chip_gen: v7x
topology: tpu7x:2x2x1
jax: 0.10.2.dev20260603
libtpu: 0.0.44.dev20260713+nightly
codegen_flags: <defaults>
</compile_context>

<pallas_src>
import jax
import jax.numpy as jnp
from jax import lax
from jax.experimental import pallas as pl
from jax.experimental.pallas import tpu as pltpu
from jax.experimental.pallas import tpu_sc as plsc

_NEQ = 10000
_B = 64
_XD = 12000
_HID = 512
_YD = 1000
_NE = 160000

_NS = 16
_NPAD = 10240
_NPT = _NPAD // _NS
_EPT = _NE // _NS
_CC = 157
_CORNER = _CC * _B
_CPAD = 160
_XCN = 256
_EPTW = 10112

_BK = 2048
_NBLK = 6


def _rsqrt16(x):
    i = plsc.bitcast(x, jnp.int32)
    i = jnp.int32(0x5F3759DF) - lax.shift_right_logical(i, 1)
    y = plsc.bitcast(i, jnp.float32)
    for _ in range(3):
        y = y * (1.5 - 0.5 * x * y * y)
    return y


def _sc_body(ei_hbm, x_hbm, out_hbm,
             ei_v, xcn_v, xd_v, cnt_loc, s_loc, m_v, m_full,
             dinv_v, dsqp_v, ep_v, xdp_v, red_v, sh_all, m_sh):
    s = lax.axis_index("s")
    c = lax.axis_index("c")
    eoff = s * _EPT
    noff = s * _NPT
    zero16 = jnp.zeros((16,), jnp.float32)
    one16 = jnp.ones((16,), jnp.float32)
    lane16 = lax.iota(jnp.int32, 16)
    zero16i = jnp.zeros((16,), jnp.int32)

    estart = pl.multiple_of((eoff // 128) * 128, 128)
    delta = eoff - estart

    @pl.when(c == 0)
    def _phase1():
        pltpu.sync_copy(ei_hbm.at[:, pl.ds(estart, _EPTW)], ei_v)
        pltpu.sync_copy(x_hbm.at[:, pl.ds(0, _XCN)], xcn_v)

        @plsc.parallel_loop(0, _NPAD // 16, unroll=8)
        def _zero_body(i):
            cnt_loc[pl.ds(i * 16, 16)] = zero16
            s_loc[pl.ds(i * 16, 16)] = zero16

        @plsc.parallel_loop(0, _EPT // 16, unroll=5)
        def _hist_body(i):
            idx = ei_v[1, pl.ds(delta + i * 16, 16)]
            plsc.addupdate_scatter(cnt_loc, [idx], one16)

        pltpu.sync_copy(cnt_loc, sh_all.at[s])

    plsc.subcore_barrier()

    @pl.when(c == 0)
    def _phase2():
        pltpu.sync_copy(sh_all.at[:, pl.ds(noff, _NPT)], red_v)

        @plsc.parallel_loop(0, _NPT // 16, unroll=4)
        def _dinv_body(j):
            o = j * 16
            tot = red_v[0, pl.ds(o, 16)]
            for t in range(1, _NS):
                tot = tot + red_v[t, pl.ds(o, 16)]
            deg = tot * 64.0 + 1.0
            y = _rsqrt16(deg)
            bidx = lane16 + (o % 64)
            nidx = zero16i + (s * (_NPT // 64) + o // 64)
            xd = plsc.load_gather(xcn_v, [bidx, nidx])
            po = (o // 64) * 128 + (o % 64)
            xd_v[pl.ds(o, 16)] = xd
            xdp_v[pl.ds(po, 16)] = xd
            dinv_v[pl.ds(o, 16)] = y
            dsqp_v[pl.ds(po, 16)] = y * y
            m_v[pl.ds(o, 16)] = xd * y

        pltpu.sync_copy(m_v, m_sh.at[pl.ds(noff, _NPT)])

    plsc.subcore_barrier()

    @pl.when(c == 0)
    def _phase3():
        pltpu.sync_copy(m_sh, m_full)

        @plsc.parallel_loop(0, _EPT // 16, unroll=5)
        def _msg_body(i):
            o = delta + i * 16
            ridx = ei_v[0, pl.ds(o, 16)]
            cidx = ei_v[1, pl.ds(o, 16)]
            mv = plsc.load_gather(m_full, [ridx])
            plsc.addupdate_scatter(s_loc, [cidx], mv)

        pltpu.sync_copy(s_loc, sh_all.at[s])

    plsc.subcore_barrier()

    @pl.when(c == 0)
    def _phase4():
        pltpu.sync_copy(sh_all.at[:, pl.ds(noff, _NPT)], red_v)

        @plsc.parallel_loop(0, _NPT // 16, unroll=4)
        def _e_body(j):
            o = j * 16
            tot = red_v[0, pl.ds(o, 16)]
            for t in range(1, _NS):
                tot = tot + red_v[t, pl.ds(o, 16)]
            po = (o // 64) * 128 + (o % 64)
            ep_v[pl.ds(po, 16)] = 64.0 * dinv_v[pl.ds(o, 16)] * tot

        poff = s * (_NPT * 2)
        pltpu.sync_copy(dsqp_v, out_hbm.at[pl.ds(poff, _NPT * 2)])
        pltpu.sync_copy(ep_v, out_hbm.at[pl.ds(_NPAD * 2 + poff, _NPT * 2)])
        pltpu.sync_copy(xdp_v, out_hbm.at[pl.ds(_NPAD * 4 + poff, _NPT * 2)])


_sc_edge = pl.kernel(
    _sc_body,
    out_type=jax.ShapeDtypeStruct((6 * _NPAD,), jnp.float32),
    mesh=plsc.VectorSubcoreMesh(core_axis_name="c", subcore_axis_name="s"),
    compiler_params=pltpu.CompilerParams(needs_layout_passes=False),
    scratch_types=[
        pltpu.VMEM((2, _EPTW), jnp.int32),
        pltpu.VMEM((_B, _XCN), jnp.float32),
        pltpu.VMEM((_NPT,), jnp.float32),
        pltpu.VMEM((_NPAD,), jnp.float32),
        pltpu.VMEM((_NPAD,), jnp.float32),
        pltpu.VMEM((_NPT,), jnp.float32),
        pltpu.VMEM((_NPAD,), jnp.float32),
        pltpu.VMEM((_NPT,), jnp.float32),
        pltpu.VMEM((2 * _NPT,), jnp.float32),
        pltpu.VMEM((2 * _NPT,), jnp.float32),
        pltpu.VMEM((2 * _NPT,), jnp.float32),
        pltpu.VMEM((_NS, _NPT), jnp.float32),
        pltpu.VMEM_SHARED((_NS, _NPAD), jnp.float32),
        pltpu.VMEM_SHARED((_NPAD,), jnp.float32),
    ],
)


def _tc_main_body(gw_ref, gb_ref, x_ref, w1_ref, o_ref):
    k = pl.program_id(0)
    gw = gw_ref[0, 0]
    gb = gb_ref[0]
    xb = x_ref[...]
    hb = jnp.maximum(gw * xb + gb, 0.0)
    col = k * _BK + lax.broadcasted_iota(jnp.int32, (_B, _BK), 1)
    x2b = jnp.where(col < _NEQ, hb, jnp.where(col < _XD, xb, 0.0))
    part = lax.dot_general(x2b, w1_ref[...], (((1,), (0,)), ((), ())),
                           preferred_element_type=jnp.float32)

    @pl.when(k == 0)
    def _():
        o_ref[...] = part

    @pl.when(k != 0)
    def _():
        o_ref[...] = o_ref[...] + part


_tc_main = pl.pallas_call(
    _tc_main_body,
    grid=(_NBLK,),
    in_specs=[
        pl.BlockSpec(memory_space=pltpu.SMEM),
        pl.BlockSpec(memory_space=pltpu.SMEM),
        pl.BlockSpec((_B, _BK), lambda k: (0, k)),
        pl.BlockSpec((_BK, _HID), lambda k: (k, 0)),
    ],
    out_specs=pl.BlockSpec((_B, _HID), lambda k: (0, 0)),
    out_shape=jax.ShapeDtypeStruct((_B, _HID), jnp.float32),
    compiler_params=pltpu.CompilerParams(dimension_semantics=("arbitrary",)),
)


def _tc_fix_body(gw_ref, gb_ref, sc_ref, w1_ref, acc_ref, b1_ref, w2_ref,
                 b2_ref, o_ref):
    gw = gw_ref[0, 0]
    gb = gb_ref[0]
    a = sc_ref[0]
    cc = sc_ref[1]
    xt = sc_ref[2]
    h_plain = jnp.maximum(gw * xt + gb, 0.0)
    h_corner = jnp.maximum(gw * (xt * a + cc) + gb, 0.0)
    delta_t = h_corner - h_plain
    fix = lax.dot_general(delta_t, w1_ref[:_CPAD, :], (((0,), (0,)), ((), ())),
                          preferred_element_type=jnp.float32)[:_B, :]
    h1 = jnp.maximum(acc_ref[...] + fix + b1_ref[...], 0.0)
    o_ref[...] = lax.dot_general(h1, w2_ref[...], (((1,), (0,)), ((), ())),
                                 preferred_element_type=jnp.float32) + b2_ref[...]


_tc_fix = pl.pallas_call(
    _tc_fix_body,
    grid=(1,),
    in_specs=[
        pl.BlockSpec(memory_space=pltpu.SMEM),
        pl.BlockSpec(memory_space=pltpu.SMEM),
        pl.BlockSpec((3, _CPAD, 128), lambda k: (0, 0, 0)),
        pl.BlockSpec((_CPAD, _HID), lambda k: (0, 0)),
        pl.BlockSpec((_B, _HID), lambda k: (0, 0)),
        pl.BlockSpec((1, _HID), lambda k: (0, 0)),
        pl.BlockSpec((_HID, _YD), lambda k: (0, 0)),
        pl.BlockSpec((1, _YD), lambda k: (0, 0)),
    ],
    out_specs=pl.BlockSpec((_B, _YD), lambda k: (0, 0)),
    out_shape=jax.ShapeDtypeStruct((_B, _YD), jnp.float32),
)


def kernel(x, edge_index, gcn_w, gcn_b, w1, b1, w2, b2):
    sc_out = _sc_edge(edge_index, x)
    acc = _tc_main(gcn_w, gcn_b, x, w1)
    sc3 = sc_out.reshape(3, _CPAD, 128)
    return _tc_fix(gcn_w, gcn_b, sc3, w1, acc, b1.reshape(1, _HID), w2,
                   b2.reshape(1, _YD))

# --- scband reference (transcript-rebuilt; emitter-appended) ---
"""Pipeline reference for scband-primal-gcnnet-69724499083523 (READ-ONLY COPY).

The authoritative reference and input builder live on the scoring server;
editing this copy changes nothing except your own understanding.
"""

import jax, jax.numpy as jnp
import numpy as np

NEQ = 10000
NUM_EDGES = 160000
BATCH = 64
XDIM = 12000
YDIM = 1000
HID = 512


def setup_inputs(seed: int = 0) -> dict:
    key = jax.random.key(seed)
    ks = jax.random.split(key, 8)
    x = jax.random.normal(ks[0], (BATCH, XDIM), dtype=jnp.float32)
    edge_index = jax.random.randint(ks[1], (2, NUM_EDGES), 0, NEQ, dtype=jnp.int32)
    gcn_w = jax.random.normal(ks[2], (1, 1), dtype=jnp.float32)
    gcn_b = jnp.zeros((1,), dtype=jnp.float32)
    w1 = jax.random.normal(ks[3], (XDIM, HID), dtype=jnp.float32) * (2.0 / XDIM) ** 0.5
    b1 = jnp.zeros((HID,), dtype=jnp.float32)
    w2 = jax.random.normal(ks[4], (HID, YDIM), dtype=jnp.float32) * (2.0 / HID) ** 0.5
    b2 = jnp.zeros((YDIM,), dtype=jnp.float32)
    return {"x": x, "edge_index": edge_index, "gcn_w": gcn_w, "gcn_b": gcn_b,
            "w1": w1, "b1": b1, "w2": w2, "b2": b2}


def gcn_conv(x, edge_index, W, b):
    # Faithful PyG GCNConv(1,1): add self-loops, symmetric deg normalization,
    # linear transform, scatter-add aggregation onto target (col) nodes, bias.
    N = x.shape[0]
    loops = jnp.arange(N, dtype=edge_index.dtype)
    row = jnp.concatenate([edge_index[0], loops])
    col = jnp.concatenate([edge_index[1], loops])
    ew = jnp.ones(row.shape[0], dtype=jnp.float32)
    deg = jax.ops.segment_sum(ew, col, num_segments=N)
    dinv = jnp.where(deg > 0, jax.lax.rsqrt(deg), 0.0)
    norm = dinv[row] * dinv[col]
    xw = x @ W
    msg = xw[row] * norm[:, None]
    out = jnp.zeros((N, W.shape[1]), dtype=x.dtype).at[col].add(msg)
    return out + b


def reference(x, edge_index, gcn_w, gcn_b, w1, b1, w2, b2):
    x_pDemand = x[:, :NEQ]
    x_pGenAva = x[:, NEQ:]
    batch_size, num_nodes = x_pDemand.shape
    xd = x_pDemand.T.reshape(-1, 1)  # [num_nodes*batch, 1]
    ei = jnp.tile(edge_index, (1, batch_size))  # edge_index.repeat(1, B) (indices NOT offset, as in original)
    h = gcn_conv(xd, ei, gcn_w, gcn_b)
    h = jax.nn.relu(h)
    h = h.reshape(num_nodes, batch_size).T
    x2 = jnp.concatenate([h, x_pGenAva], axis=1)
    h1 = jax.nn.relu(x2 @ w1 + b1)
    out = h1 @ w2 + b2
    return out

if __name__ == "__main__":
    import jax
    _d = setup_inputs()
    print(jax.jit(kernel)(*tuple(_d.values())))

</pallas_src>

<mosaic_0001>
#map = affine_map<(d0, d1) -> (0, 0)>
#map1 = affine_map<(d0, d1) -> (0)>
module attributes {stable_mosaic.version = 14 : i64} {
  func.func @_sc_body(%arg0: i32, %arg1: i32, %arg2: memref<2x160000xi32, #tpu.memory_space<hbm>>, %arg3: memref<64x12000xf32, #tpu.memory_space<hbm>>, %arg4: memref<61440xf32, #tpu.memory_space<hbm>>, %arg5: memref<2x10112xi32, #tpu.memory_space<vmem>>, %arg6: memref<64x256xf32, #tpu.memory_space<vmem>>, %arg7: memref<640xf32, #tpu.memory_space<vmem>>, %arg8: memref<10240xf32, #tpu.memory_space<vmem>>, %arg9: memref<10240xf32, #tpu.memory_space<vmem>>, %arg10: memref<640xf32, #tpu.memory_space<vmem>>, %arg11: memref<10240xf32, #tpu.memory_space<vmem>>, %arg12: memref<640xf32, #tpu.memory_space<vmem>>, %arg13: memref<1280xf32, #tpu.memory_space<vmem>>, %arg14: memref<1280xf32, #tpu.memory_space<vmem>>, %arg15: memref<1280xf32, #tpu.memory_space<vmem>>, %arg16: memref<16x640xf32, #tpu.memory_space<vmem>>, %arg17: memref<16x10240xf32, #tpu.memory_space<vmem_shared>>, %arg18: memref<10240xf32, #tpu.memory_space<vmem_shared>>) attributes {dimension_semantics = [#tpu.dimension_semantics<core_parallel>, #tpu.dimension_semantics<subcore_parallel>], iteration_bounds = array<i64: 2, 16>, scalar_prefetch = 0 : i64, scratch_operands = 14 : i64, tpu.core_type = #tpu.core_type<sc_vector_subcore>, window_params = [{transform_indices = #map}, {transform_indices = #map}, {transform_indices = #map1}]} {
    %mul3A = arith.constant 10000 : i32
    %mul3A_0 = arith.muli %arg1, %mul3A : i32
    %mul3A_1 = arith.constant 640 : i32
    %mul3A_2 = arith.muli %arg1, %mul3A_1 : i32
    %broadcast_in_dim3A = arith.constant 0.000000e+00 : f32
    %broadcast_in_dim3A_3 = vector.broadcast %broadcast_in_dim3A : f32 to vector<16xf32>
    %broadcast_in_dim3A_4 = arith.constant 1.000000e+00 : f32
    %broadcast_in_dim3A_5 = vector.broadcast %broadcast_in_dim3A_4 : f32 to vector<16xf32>
    %iota3A = tpu.iota {dimensions = array<i32: 0>} : vector<16xi32>
    %broadcast_in_dim3A_6 = arith.constant 0 : i32
    %broadcast_in_dim3A_7 = vector.broadcast %broadcast_in_dim3A_6 : i32 to vector<16xi32>
    %jit3A = arith.constant 128 : i32
    %div3A = arith.divsi %mul3A_0, %jit3A : i32
    %sign3A = arith.constant 0 : i32
    %sign3A_8 = arith.cmpi sgt, %mul3A_0, %sign3A : i32
    %sign3A_9 = arith.extui %sign3A_8 : i1 to i32
    %sign3A_10 = arith.constant 0 : i32
    %sign3A_11 = arith.cmpi slt, %mul3A_0, %sign3A_10 : i32
    %sign3A_12 = arith.extui %sign3A_11 : i1 to i32
    %sign3A_13 = arith.subi %sign3A_9, %sign3A_12 : i32
    %sign3A_14 = arith.constant 0 : i32
    %sign3A_15 = arith.cmpi sgt, %jit3A, %sign3A_14 : i32
    %sign3A_16 = arith.extui %sign3A_15 : i1 to i32
    %sign3A_17 = arith.constant 0 : i32
    %sign3A_18 = arith.cmpi slt, %jit3A, %sign3A_17 : i32
    %sign3A_19 = arith.extui %sign3A_18 : i1 to i32
    %sign3A_20 = arith.subi %sign3A_16, %sign3A_19 : i32
    %ne3A = arith.cmpi ne, %sign3A_13, %sign3A_20 : i32
    %rem3A = arith.remsi %mul3A_0, %jit3A : i32
    %ne3A_21 = arith.constant 0 : i32
    %ne3A_22 = arith.cmpi ne, %rem3A, %ne3A_21 : i32
    %and3A = arith.andi %ne3A, %ne3A_22 : i1
    %sub3A = arith.constant 1 : i32
    %sub3A_23 = arith.subi %div3A, %sub3A : i32
    %select_n3A = arith.select %and3A, %sub3A_23, %div3A : i32
    %mul3A_24 = arith.constant 128 : i32
    %mul3A_25 = arith.muli %select_n3A, %mul3A_24 : i32
    %multiple_of3A = tpu.assume_multiple %mul3A_25, 128 : i32
    %sub3A_26 = arith.subi %mul3A_0, %multiple_of3A : i32
    %eq3A = arith.constant 0 : i32
    %eq3A_27 = arith.cmpi eq, %arg0, %eq3A : i32
    %convert_element_type3A = arith.extui %eq3A_27 : i1 to i32
    %cond3A = arith.constant 0 : i32
    %cond3A_28 = arith.cmpi ne, %convert_element_type3A, %cond3A : i32
    scf.if %cond3A_28 {
      "tpu.region"() ({
        %run_scoped3A = tpu.sem_alloc : memref<!tpu.dma_semaphore, #tpu.memory_space<semaphore_mem>>
        %dma_start3A = arith.constant 0 : i32
        %dma_start3A_51 = tpu.memref_slice %arg2[%dma_start3A, %multiple_of3A] : memref<2x160000xi32, #tpu.memory_space<hbm>> -> memref<2x10112xi32, #tpu.memory_space<hbm>>
        %dma_start3A_52 = arith.constant 0 : i32
        %dma_start3A_53 = tpu.memref_slice %arg2[%dma_start3A_52, %multiple_of3A] : memref<2x160000xi32, #tpu.memory_space<hbm>> -> memref<2x10112xi32, #tpu.memory_space<hbm>>
        tpu.enqueue_dma source(%dma_start3A_53 : memref<2x10112xi32, #tpu.memory_space<hbm>>) target(%arg5 : memref<2x10112xi32, #tpu.memory_space<vmem>>) target_semaphore(%run_scoped3A : memref<!tpu.dma_semaphore, #tpu.memory_space<semaphore_mem>>)
        %dma_wait3A = arith.constant 0 : i32
        %dma_wait3A_54 = tpu.memref_slice %arg2[%dma_wait3A, %multiple_of3A] : memref<2x160000xi32, #tpu.memory_space<hbm>> -> memref<2x10112xi32, #tpu.memory_space<hbm>>
        %dma_wait3A_55 = arith.constant 0 : i32
        %dma_wait3A_56 = tpu.memref_slice %arg2[%dma_wait3A_55, %multiple_of3A] : memref<2x160000xi32, #tpu.memory_space<hbm>> -> memref<2x10112xi32, #tpu.memory_space<hbm>>
        tpu.wait_dma2 semaphore(%run_scoped3A : memref<!tpu.dma_semaphore, #tpu.memory_space<semaphore_mem>>) src(%dma_wait3A_56 : memref<2x10112xi32, #tpu.memory_space<hbm>>) dst(%arg5 : memref<2x10112xi32, #tpu.memory_space<vmem>>)
        tpu.yield
      }) : () -> ()
      "tpu.region"() ({
        %run_scoped3A = tpu.sem_alloc : memref<!tpu.dma_semaphore, #tpu.memory_space<semaphore_mem>>
        %dma_start3A = arith.constant 0 : i32
        %dma_start3A_51 = arith.constant 0 : i32
        %dma_start3A_52 = tpu.memref_slice %arg3[%dma_start3A, %dma_start3A_51] : memref<64x12000xf32, #tpu.memory_space<hbm>> -> memref<64x256xf32, #tpu.memory_space<hbm>>
        %dma_start3A_53 = arith.constant 0 : i32
        %dma_start3A_54 = arith.constant 0 : i32
        %dma_start3A_55 = tpu.memref_slice %arg3[%dma_start3A_53, %dma_start3A_54] : memref<64x12000xf32, #tpu.memory_space<hbm>> -> memref<64x256xf32, #tpu.memory_space<hbm>>
        tpu.enqueue_dma source(%dma_start3A_55 : memref<64x256xf32, #tpu.memory_space<hbm>>) target(%arg6 : memref<64x256xf32, #tpu.memory_space<vmem>>) target_semaphore(%run_scoped3A : memref<!tpu.dma_semaphore, #tpu.memory_space<semaphore_mem>>)
        %dma_wait3A = arith.constant 0 : i32
        %dma_wait3A_56 = arith.constant 0 : i32
        %dma_wait3A_57 = tpu.memref_slice %arg3[%dma_wait3A, %dma_wait3A_56] : memref<64x12000xf32, #tpu.memory_space<hbm>> -> memref<64x256xf32, #tpu.memory_space<hbm>>
        %dma_wait3A_58 = arith.constant 0 : i32
        %dma_wait3A_59 = arith.constant 0 : i32
        %dma_wait3A_60 = tpu.memref_slice %arg3[%dma_wait3A_58, %dma_wait3A_59] : memref<64x12000xf32, #tpu.memory_space<hbm>> -> memref<64x256xf32, #tpu.memory_space<hbm>>
        tpu.wait_dma2 semaphore(%run_scoped3A : memref<!tpu.dma_semaphore, #tpu.memory_space<semaphore_mem>>) src(%dma_wait3A_60 : memref<64x256xf32, #tpu.memory_space<hbm>>) dst(%arg6 : memref<64x256xf32, #tpu.memory_space<vmem>>)
        tpu.yield
      }) : () -> ()
      %parallel_loop3A = arith.constant 0 : i32
      %parallel_loop3A_46 = arith.constant 640 : i32
      %parallel_loop3A_47 = arith.constant 1 : i32
      scf.for %parallel_loop3A_51 = %parallel_loop3A to %parallel_loop3A_46 step %parallel_loop3A_47  : i32 {
        %parallel_loop3A_52 = arith.constant 16 : i32
        %parallel_loop3A_53 = arith.muli %parallel_loop3A_51, %parallel_loop3A_52 : i32
        %parallel_loop3A_54 = arith.index_cast %parallel_loop3A_53 : i32 to index
        %parallel_loop3A_55 = tpu.vector_load %arg8[%parallel_loop3A_54] {strides = array<i32>} : memref<10240xf32, #tpu.memory_space<vmem>>, vector<16xf32>,
        tpu.vector_store %arg8[%parallel_loop3A_54], %broadcast_in_dim3A_3 {strides = array<i32>} : memref<10240xf32, #tpu.memory_space<vmem>>, vector<16xf32>,
        %parallel_loop3A_56 = arith.constant 16 : i32
        %parallel_loop3A_57 = arith.muli %parallel_loop3A_51, %parallel_loop3A_56 : i32
        %parallel_loop3A_58 = arith.index_cast %parallel_loop3A_57 : i32 to index
        %parallel_loop3A_59 = tpu.vector_load %arg9[%parallel_loop3A_58] {strides = array<i32>} : memref<10240xf32, #tpu.memory_space<vmem>>, vector<16xf32>,
        tpu.vector_store %arg9[%parallel_loop3A_58], %broadcast_in_dim3A_3 {strides = array<i32>} : memref<10240xf32, #tpu.memory_space<vmem>>, vector<16xf32>,
      } {sc.loop_unroll_factor = 8 : i64, sc.parallel_access}
      %parallel_loop3A_48 = arith.constant 0 : i32
      %parallel_loop3A_49 = arith.constant 625 : i32
      %parallel_loop3A_50 = arith.constant 1 : i32
      scf.for %parallel_loop3A_51 = %parallel_loop3A_48 to %parallel_loop3A_49 step %parallel_loop3A_50  : i32 {
        %parallel_loop3A_52 = arith.constant 16 : i32
        %parallel_loop3A_53 = arith.muli %parallel_loop3A_51, %parallel_loop3A_52 : i32
        %parallel_loop3A_54 = arith.addi %sub3A_26, %parallel_loop3A_53 : i32
        %parallel_loop3A_55 = arith.constant 1 : i32
        %parallel_loop3A_56 = arith.index_cast %parallel_loop3A_55 : i32 to index
        %parallel_loop3A_57 = arith.index_cast %parallel_loop3A_54 : i32 to index
        %parallel_loop3A_58 = tpu.vector_load %arg5[%parallel_loop3A_56, %parallel_loop3A_57] {strides = array<i32>} : memref<2x10112xi32, #tpu.memory_space<vmem>>, vector<16xi32>,
        tpu.vector_store_idx %arg8[%parallel_loop3A_58], %broadcast_in_dim3A_5 {add = true} : memref<10240xf32, #tpu.memory_space<vmem>>[vector<16xi32>], vector<16xf32>,
      } {sc.loop_unroll_factor = 5 : i64, sc.parallel_access}
      "tpu.region"() ({
        %run_scoped3A = tpu.sem_alloc : memref<!tpu.dma_semaphore, #tpu.memory_space<semaphore_mem>>
        %dma_start3A = arith.constant 0 : i32
        %dma_start3A_51 = tpu.memref_slice %arg17[%arg1, %dma_start3A] : memref<16x10240xf32, #tpu.memory_space<vmem_shared>> -> memref<1x10240xf32, #tpu.memory_space<vmem_shared>>
        %dma_start3A_52 = tpu.memref_squeeze %dma_start3A_51 : memref<1x10240xf32, #tpu.memory_space<vmem_shared>> -> memref<10240xf32, #tpu.memory_space<vmem_shared>>
        %dma_start3A_53 = arith.constant 0 : i32
        %dma_start3A_54 = tpu.memref_slice %arg17[%arg1, %dma_start3A_53] : memref<16x10240xf32, #tpu.memory_space<vmem_shared>> -> memref<1x10240xf32, #tpu.memory_space<vmem_shared>>
        %dma_start3A_55 = tpu.memref_squeeze %dma_start3A_54 : memref<1x10240xf32, #tpu.memory_space<vmem_shared>> -> memref<10240xf32, #tpu.memory_space<vmem_shared>>
        tpu.enqueue_dma source(%arg8 : memref<10240xf32, #tpu.memory_space<vmem>>) target(%dma_start3A_55 : memref<10240xf32, #tpu.memory_space<vmem_shared>>) target_semaphore(%run_scoped3A : memref<!tpu.dma_semaphore, #tpu.memory_space<semaphore_mem>>)
        %dma_wait3A = arith.constant 0 : i32
        %dma_wait3A_56 = tpu.memref_slice %arg17[%arg1, %dma_wait3A] : memref<16x10240xf32, #tpu.memory_space<vmem_shared>> -> memref<1x10240xf32, #tpu.memory_space<vmem_shared>>
        %dma_wait3A_57 = tpu.memref_squeeze %dma_wait3A_56 : memref<1x10240xf32, #tpu.memory_space<vmem_shared>> -> memref<10240xf32, #tpu.memory_space<vmem_shared>>
        %dma_wait3A_58 = arith.constant 0 : i32
        %dma_wait3A_59 = tpu.memref_slice %arg17[%arg1, %dma_wait3A_58] : memref<16x10240xf32, #tpu.memory_space<vmem_shared>> -> memref<1x10240xf32, #tpu.memory_space<vmem_shared>>
        %dma_wait3A_60 = tpu.memref_squeeze %dma_wait3A_59 : memref<1x10240xf32, #tpu.memory_space<vmem_shared>> -> memref<10240xf32, #tpu.memory_space<vmem_shared>>
        tpu.wait_dma2 semaphore(%run_scoped3A : memref<!tpu.dma_semaphore, #tpu.memory_space<semaphore_mem>>) src(%arg8 : memref<10240xf32, #tpu.memory_space<vmem>>) dst(%dma_wait3A_60 : memref<10240xf32, #tpu.memory_space<vmem_shared>>)
        tpu.yield
      }) : () -> ()
    } else {
    }
    %barrier3A = arith.constant 0 : index
    tpu.barrier barrier_id(%barrier3A)
    %eq3A_29 = arith.constant 0 : i32
    %eq3A_30 = arith.cmpi eq, %arg0, %eq3A_29 : i32
    %convert_element_type3A_31 = arith.extui %eq3A_30 : i1 to i32
    %cond3A_32 = arith.constant 0 : i32
    %cond3A_33 = arith.cmpi ne, %convert_element_type3A_31, %cond3A_32 : i32
    scf.if %cond3A_33 {
      "tpu.region"() ({
        %run_scoped3A = tpu.sem_alloc : memref<!tpu.dma_semaphore, #tpu.memory_space<semaphore_mem>>
        %dma_start3A = arith.constant 0 : i32
        %dma_start3A_48 = tpu.memref_slice %arg17[%dma_start3A, %mul3A_2] : memref<16x10240xf32, #tpu.memory_space<vmem_shared>> -> memref<16x640xf32, #tpu.memory_space<vmem_shared>>
        %dma_start3A_49 = arith.constant 0 : i32
        %dma_start3A_50 = tpu.memref_slice %arg17[%dma_start3A_49, %mul3A_2] : memref<16x10240xf32, #tpu.memory_space<vmem_shared>> -> memref<16x640xf32, #tpu.memory_space<vmem_shared>>
        tpu.enqueue_dma source(%dma_start3A_50 : memref<16x640xf32, #tpu.memory_space<vmem_shared>>) target(%arg16 : memref<16x640xf32, #tpu.memory_space<vmem>>) target_semaphore(%run_scoped3A : memref<!tpu.dma_semaphore, #tpu.memory_space<semaphore_mem>>)
        %dma_wait3A = arith.constant 0 : i32
        %dma_wait3A_51 = tpu.memref_slice %arg17[%dma_wait3A, %mul3A_2] : memref<16x10240xf32, #tpu.memory_space<vmem_shared>> -> memref<16x640xf32, #tpu.memory_space<vmem_shared>>
        %dma_wait3A_52 = arith.constant 0 : i32
        %dma_wait3A_53 = tpu.memref_slice %arg17[%dma_wait3A_52, %mul3A_2] : memref<16x10240xf32, #tpu.memory_space<vmem_shared>> -> memref<16x640xf32, #tpu.memory_space<vmem_shared>>
        tpu.wait_dma2 semaphore(%run_scoped3A : memref<!tpu.dma_semaphore, #tpu.memory_space<semaphore_mem>>) src(%dma_wait3A_53 : memref<16x640xf32, #tpu.memory_space<vmem_shared>>) dst(%arg16 : memref<16x640xf32, #tpu.memory_space<vmem>>)
        tpu.yield
      }) : () -> ()
      %parallel_loop3A = arith.constant 0 : i32
      %parallel_loop3A_46 = arith.constant 40 : i32
      %parallel_loop3A_47 = arith.constant 1 : i32
      scf.for %parallel_loop3A_48 = %parallel_loop3A to %parallel_loop3A_46 step %parallel_loop3A_47  : i32 {
        %parallel_loop3A_49 = arith.constant 16 : i32
        %parallel_loop3A_50 = arith.muli %parallel_loop3A_48, %parallel_loop3A_49 : i32
        %parallel_loop3A_51 = arith.constant 0 : i32
        %parallel_loop3A_52 = arith.index_cast %parallel_loop3A_51 : i32 to index
        %parallel_loop3A_53 = arith.index_cast %parallel_loop3A_50 : i32 to index
        %parallel_loop3A_54 = tpu.vector_load %arg16[%parallel_loop3A_52, %parallel_loop3A_53] {strides = array<i32>} : memref<16x640xf32, #tpu.memory_space<vmem>>, vector<16xf32>,
        %parallel_loop3A_55 = arith.constant 1 : i32
        %parallel_loop3A_56 = arith.index_cast %parallel_loop3A_55 : i32 to index
        %parallel_loop3A_57 = arith.index_cast %parallel_loop3A_50 : i32 to index
        %parallel_loop3A_58 = tpu.vector_load %arg16[%parallel_loop3A_56, %parallel_loop3A_57] {strides = array<i32>} : memref<16x640xf32, #tpu.memory_space<vmem>>, vector<16xf32>,
        %parallel_loop3A_59 = arith.addf %parallel_loop3A_54, %parallel_loop3A_58 : vector<16xf32>
        %parallel_loop3A_60 = arith.constant 2 : i32
        %parallel_loop3A_61 = arith.index_cast %parallel_loop3A_60 : i32 to index
        %parallel_loop3A_62 = arith.index_cast %parallel_loop3A_50 : i32 to index
        %parallel_loop3A_63 = tpu.vector_load %arg16[%parallel_loop3A_61, %parallel_loop3A_62] {strides = array<i32>} : memref<16x640xf32, #tpu.memory_space<vmem>>, vector<16xf32>,
        %parallel_loop3A_64 = arith.addf %parallel_loop3A_59, %parallel_loop3A_63 : vector<16xf32>
        %parallel_loop3A_65 = arith.constant 3 : i32
        %parallel_loop3A_66 = arith.index_cast %parallel_loop3A_65 : i32 to index
        %parallel_loop3A_67 = arith.index_cast %parallel_loop3A_50 : i32 to index
        %parallel_loop3A_68 = tpu.vector_load %arg16[%parallel_loop3A_66, %parallel_loop3A_67] {strides = array<i32>} : memref<16x640xf32, #tpu.memory_space<vmem>>, vector<16xf32>,
        %parallel_loop3A_69 = arith.addf %parallel_loop3A_64, %parallel_loop3A_68 : vector<16xf32>
        %parallel_loop3A_70 = arith.constant 4 : i32
        %parallel_loop3A_71 = arith.index_cast %parallel_loop3A_70 : i32 to index
        %parallel_loop3A_72 = arith.index_cast %parallel_loop3A_50 : i32 to index
        %parallel_loop3A_73 = tpu.vector_load %arg16[%parallel_loop3A_71, %parallel_loop3A_72] {strides = array<i32>} : memref<16x640xf32, #tpu.memory_space<vmem>>, vector<16xf32>,
        %parallel_loop3A_74 = arith.addf %parallel_loop3A_69, %parallel_loop3A_73 : vector<16xf32>
        %parallel_loop3A_75 = arith.constant 5 : i32
        %parallel_loop3A_76 = arith.index_cast %parallel_loop3A_75 : i32 to index
        %parallel_loop3A_77 = arith.index_cast %parallel_loop3A_50 : i32 to index
        %parallel_loop3A_78 = tpu.vector_load %arg16[%parallel_loop3A_76, %parallel_loop3A_77] {strides = array<i32>} : memref<16x640xf32, #tpu.memory_space<vmem>>, vector<16xf32>,
        %parallel_loop3A_79 = arith.addf %parallel_loop3A_74, %parallel_loop3A_78 : vector<16xf32>
        %parallel_loop3A_80 = arith.constant 6 : i32
        %parallel_loop3A_81 = arith.index_cast %parallel_loop3A_80 : i32 to index
        %parallel_loop3A_82 = arith.index_cast %parallel_loop3A_50 : i32 to index
        %parallel_loop3A_83 = tpu.vector_load %arg16[%parallel_loop3A_81, %parallel_loop3A_82] {strides = array<i32>} : memref<16x640xf32, #tpu.memory_space<vmem>>, vector<16xf32>,
        %parallel_loop3A_84 = arith.addf %parallel_loop3A_79, %parallel_loop3A_83 : vector<16xf32>
        %parallel_loop3A_85 = arith.constant 7 : i32
        %parallel_loop3A_86 = arith.index_cast %parallel_loop3A_85 : i32 to index
        %parallel_loop3A_87 = arith.index_cast %parallel_loop3A_50 : i32 to index
        %parallel_loop3A_88 = tpu.vector_load %arg16[%parallel_loop3A_86, %parallel_loop3A_87] {strides = array<i32>} : memref<16x640xf32, #tpu.memory_space<vmem>>, vector<16xf32>,
        %parallel_loop3A_89 = arith.addf %parallel_loop3A_84, %parallel_loop3A_88 : vector<16xf32>
        %parallel_loop3A_90 = arith.constant 8 : i32
        %parallel_loop3A_91 = arith.index_cast %parallel_loop3A_90 : i32 to index
        %parallel_loop3A_92 = arith.index_cast %parallel_loop3A_50 : i32 to index
        %parallel_loop3A_93 = tpu.vector_load %arg16[%parallel_loop3A_91, %parallel_loop3A_92] {strides = array<i32>} : memref<16x640xf32, #tpu.memory_space<vmem>>, vector<16xf32>,
        %parallel_loop3A_94 = arith.addf %parallel_loop3A_89, %parallel_loop3A_93 : vector<16xf32>
        %parallel_loop3A_95 = arith.constant 9 : i32
        %parallel_loop3A_96 = arith.index_cast %parallel_loop3A_95 : i32 to index
        %parallel_loop3A_97 = arith.index_cast %parallel_loop3A_50 : i32 to index
        %parallel_loop3A_98 = tpu.vector_load %arg16[%parallel_loop3A_96, %parallel_loop3A_97] {strides = array<i32>} : memref<16x640xf32, #tpu.memory_space<vmem>>, vector<16xf32>,
        %parallel_loop3A_99 = arith.addf %parallel_loop3A_94, %parallel_loop3A_98 : vector<16xf32>
        %parallel_loop3A_100 = arith.constant 10 : i32
        %parallel_loop3A_101 = arith.index_cast %parallel_loop3A_100 : i32 to index
        %parallel_loop3A_102 = arith.index_cast %parallel_loop3A_50 : i32 to index
        %parallel_loop3A_103 = tpu.vector_load %arg16[%parallel_loop3A_101, %parallel_loop3A_102] {strides = array<i32>} : memref<16x640xf32, #tpu.memory_space<vmem>>, vector<16xf32>,
        %parallel_loop3A_104 = arith.addf %parallel_loop3A_99, %parallel_loop3A_103 : vector<16xf32>
        %parallel_loop3A_105 = arith.constant 11 : i32
        %parallel_loop3A_106 = arith.index_cast %parallel_loop3A_105 : i32 to index
        %parallel_loop3A_107 = arith.index_cast %parallel_loop3A_50 : i32 to index
        %parallel_loop3A_108 = tpu.vector_load %arg16[%parallel_loop3A_106, %parallel_loop3A_107] {strides = array<i32>} : memref<16x640xf32, #tpu.memory_space<vmem>>, vector<16xf32>,
        %parallel_loop3A_109 = arith.addf %parallel_loop3A_104, %parallel_loop3A_108 : vector<16xf32>
        %parallel_loop3A_110 = arith.constant 12 : i32
        %parallel_loop3A_111 = arith.index_cast %parallel_loop3A_110 : i32 to index
        %parallel_loop3A_112 = arith.index_cast %parallel_loop3A_50 : i32 to index
        %parallel_loop3A_113 = tpu.vector_load %arg16[%parallel_loop3A_111, %parallel_loop3A_112] {strides = array<i32>} : memref<16x640xf32, #tpu.memory_space<vmem>>, vector<16xf32>,
        %parallel_loop3A_114 = arith.addf %parallel_loop3A_109, %parallel_loop3A_113 : vector<16xf32>
        %parallel_loop3A_115 = arith.constant 13 : i32
        %parallel_loop3A_116 = arith.index_cast %parallel_loop3A_115 : i32 to index
        %parallel_loop3A_117 = arith.index_cast %parallel_loop3A_50 : i32 to index
        %parallel_loop3A_118 = tpu.vector_load %arg16[%parallel_loop3A_116, %parallel_loop3A_117] {strides = array<i32>} : memref<16x640xf32, #tpu.memory_space<vmem>>, vector<16xf32>,
        %parallel_loop3A_119 = arith.addf %parallel_loop3A_114, %parallel_loop3A_118 : vector<16xf32>
        %parallel_loop3A_120 = arith.constant 14 : i32
        %parallel_loop3A_121 = arith.index_cast %parallel_loop3A_120 : i32 to index
        %parallel_loop3A_122 = arith.index_cast %parallel_loop3A_50 : i32 to index
        %parallel_loop3A_123 = tpu.vector_load %arg16[%parallel_loop3A_121, %parallel_loop3A_122] {strides = array<i32>} : memref<16x640xf32, #tpu.memory_space<vmem>>, vector<16xf32>,
        %parallel_loop3A_124 = arith.addf %parallel_loop3A_119, %parallel_loop3A_123 : vector<16xf32>
        %parallel_loop3A_125 = arith.constant 15 : i32
        %parallel_loop3A_126 = arith.index_cast %parallel_loop3A_125 : i32 to index
        %parallel_loop3A_127 = arith.index_cast %parallel_loop3A_50 : i32 to index
        %parallel_loop3A_128 = tpu.vector_load %arg16[%parallel_loop3A_126, %parallel_loop3A_127] {strides = array<i32>} : memref<16x640xf32, #tpu.memory_space<vmem>>, vector<16xf32>,
        %parallel_loop3A_129 = arith.addf %parallel_loop3A_124, %parallel_loop3A_128 : vector<16xf32>
        %parallel_loop3A_130 = arith.constant 6.400000e+01 : f32
        %parallel_loop3A_131 = vector.broadcast %parallel_loop3A_130 : f32 to vector<16xf32>
        %parallel_loop3A_132 = arith.mulf %parallel_loop3A_129, %parallel_loop3A_131 : vector<16xf32>
        %parallel_loop3A_133 = arith.constant 1.000000e+00 : f32
        %parallel_loop3A_134 = vector.broadcast %parallel_loop3A_133 : f32 to vector<16xf32>
        %parallel_loop3A_135 = arith.addf %parallel_loop3A_132, %parallel_loop3A_134 : vector<16xf32>
        %parallel_loop3A_136 = vector.bitcast %parallel_loop3A_135 : vector<16xf32> to vector<16xi32>
        %parallel_loop3A_137 = arith.constant 1 : i32
        %parallel_loop3A_138 = vector.broadcast %parallel_loop3A_137 : i32 to vector<16xi32>
        %parallel_loop3A_139 = arith.shrui %parallel_loop3A_136, %parallel_loop3A_138 : vector<16xi32>
        %parallel_loop3A_140 = arith.constant 1597463007 : i32
        %parallel_loop3A_141 = vector.broadcast %parallel_loop3A_140 : i32 to vector<16xi32>
        %parallel_loop3A_142 = arith.subi %parallel_loop3A_141, %parallel_loop3A_139 : vector<16xi32>
        %parallel_loop3A_143 = vector.bitcast %parallel_loop3A_142 : vector<16xi32> to vector<16xf32>
        %parallel_loop3A_144 = arith.constant 5.000000e-01 : f32
        %parallel_loop3A_145 = vector.broadcast %parallel_loop3A_144 : f32 to vector<16xf32>
        %parallel_loop3A_146 = arith.mulf %parallel_loop3A_145, %parallel_loop3A_135 : vector<16xf32>
        %parallel_loop3A_147 = arith.mulf %parallel_loop3A_146, %parallel_loop3A_143 : vector<16xf32>
        %parallel_loop3A_148 = arith.mulf %parallel_loop3A_147, %parallel_loop3A_143 : vector<16xf32>
        %parallel_loop3A_149 = arith.constant 1.500000e+00 : f32
        %parallel_loop3A_150 = vector.broadcast %parallel_loop3A_149 : f32 to vector<16xf32>
        %parallel_loop3A_151 = arith.subf %parallel_loop3A_150, %parallel_loop3A_148 : vector<16xf32>
        %parallel_loop3A_152 = arith.mulf %parallel_loop3A_143, %parallel_loop3A_151 : vector<16xf32>
        %parallel_loop3A_153 = arith.constant 5.000000e-01 : f32
        %parallel_loop3A_154 = vector.broadcast %parallel_loop3A_153 : f32 to vector<16xf32>
        %parallel_loop3A_155 = arith.mulf %parallel_loop3A_154, %parallel_loop3A_135 : vector<16xf32>
        %parallel_loop3A_156 = arith.mulf %parallel_loop3A_155, %parallel_loop3A_152 : vector<16xf32>
        %parallel_loop3A_157 = arith.mulf %parallel_loop3A_156, %parallel_loop3A_152 : vector<16xf32>
        %parallel_loop3A_158 = arith.constant 1.500000e+00 : f32
        %parallel_loop3A_159 = vector.broadcast %parallel_loop3A_158 : f32 to vector<16xf32>
        %parallel_loop3A_160 = arith.subf %parallel_loop3A_159, %parallel_loop3A_157 : vector<16xf32>
        %parallel_loop3A_161 = arith.mulf %parallel_loop3A_152, %parallel_loop3A_160 : vector<16xf32>
        %parallel_loop3A_162 = arith.constant 5.000000e-01 : f32
        %parallel_loop3A_163 = vector.broadcast %parallel_loop3A_162 : f32 to vector<16xf32>
        %parallel_loop3A_164 = arith.mulf %parallel_loop3A_163, %parallel_loop3A_135 : vector<16xf32>
        %parallel_loop3A_165 = arith.mulf %parallel_loop3A_164, %parallel_loop3A_161 : vector<16xf32>
        %parallel_loop3A_166 = arith.mulf %parallel_loop3A_165, %parallel_loop3A_161 : vector<16xf32>
        %parallel_loop3A_167 = arith.constant 1.500000e+00 : f32
        %parallel_loop3A_168 = vector.broadcast %parallel_loop3A_167 : f32 to vector<16xf32>
        %parallel_loop3A_169 = arith.subf %parallel_loop3A_168, %parallel_loop3A_166 : vector<16xf32>
        %parallel_loop3A_170 = arith.mulf %parallel_loop3A_161, %parallel_loop3A_169 : vector<16xf32>
        %parallel_loop3A_171 = arith.constant 64 : i32
        %parallel_loop3A_172 = arith.constant 0 : i32
        %parallel_loop3A_173 = arith.cmpi eq, %parallel_loop3A_171, %parallel_loop3A_172 : i32
        %parallel_loop3A_174 = arith.constant 1 : i32
        %parallel_loop3A_175 = arith.select %parallel_loop3A_173, %parallel_loop3A_174, %parallel_loop3A_171 : i32
        %parallel_loop3A_176 = arith.remsi %parallel_loop3A_50, %parallel_loop3A_175 : i32
        %parallel_loop3A_177 = arith.constant 0 : i32
        %parallel_loop3A_178 = arith.cmpi ne, %parallel_loop3A_176, %parallel_loop3A_177 : i32
        %parallel_loop3A_179 = arith.constant 0 : i32
        %parallel_loop3A_180 = arith.cmpi slt, %parallel_loop3A_176, %parallel_loop3A_179 : i32
        %parallel_loop3A_181 = arith.constant 0 : i32
        %parallel_loop3A_182 = arith.cmpi slt, %parallel_loop3A_175, %parallel_loop3A_181 : i32
        %parallel_loop3A_183 = arith.xori %parallel_loop3A_180, %parallel_loop3A_182 : i1
        %parallel_loop3A_184 = arith.andi %parallel_loop3A_183, %parallel_loop3A_178 : i1
        %parallel_loop3A_185 = arith.addi %parallel_loop3A_176, %parallel_loop3A_175 : i32
        %parallel_loop3A_186 = arith.select %parallel_loop3A_184, %parallel_loop3A_185, %parallel_loop3A_176 : i32
        %parallel_loop3A_187 = vector.broadcast %parallel_loop3A_186 : i32 to vector<16xi32>
        %parallel_loop3A_188 = arith.addi %iota3A, %parallel_loop3A_187 : vector<16xi32>
        %parallel_loop3A_189 = arith.constant 10 : i32
        %parallel_loop3A_190 = arith.muli %arg1, %parallel_loop3A_189 : i32
        %parallel_loop3A_191 = arith.constant 64 : i32
        %parallel_loop3A_192 = arith.divsi %parallel_loop3A_50, %parallel_loop3A_191 : i32
        %parallel_loop3A_193 = arith.constant 0 : i32
        %parallel_loop3A_194 = arith.cmpi sgt, %parallel_loop3A_50, %parallel_loop3A_193 : i32
        %parallel_loop3A_195 = arith.extui %parallel_loop3A_194 : i1 to i32
        %parallel_loop3A_196 = arith.constant 0 : i32
        %parallel_loop3A_197 = arith.cmpi slt, %parallel_loop3A_50, %parallel_loop3A_196 : i32
        %parallel_loop3A_198 = arith.extui %parallel_loop3A_197 : i1 to i32
        %parallel_loop3A_199 = arith.subi %parallel_loop3A_195, %parallel_loop3A_198 : i32
        %parallel_loop3A_200 = arith.constant 0 : i32
        %parallel_loop3A_201 = arith.cmpi sgt, %parallel_loop3A_191, %parallel_loop3A_200 : i32
        %parallel_loop3A_202 = arith.extui %parallel_loop3A_201 : i1 to i32
        %parallel_loop3A_203 = arith.constant 0 : i32
        %parallel_loop3A_204 = arith.cmpi slt, %parallel_loop3A_191, %parallel_loop3A_203 : i32
        %parallel_loop3A_205 = arith.extui %parallel_loop3A_204 : i1 to i32
        %parallel_loop3A_206 = arith.subi %parallel_loop3A_202, %parallel_loop3A_205 : i32
        %parallel_loop3A_207 = arith.cmpi ne, %parallel_loop3A_199, %parallel_loop3A_206 : i32
        %parallel_loop3A_208 = arith.remsi %parallel_loop3A_50, %parallel_loop3A_191 : i32
        %parallel_loop3A_209 = arith.constant 0 : i32
        %parallel_loop3A_210 = arith.cmpi ne, %parallel_loop3A_208, %parallel_loop3A_209 : i32
        %parallel_loop3A_211 = arith.andi %parallel_loop3A_207, %parallel_loop3A_210 : i1
        %parallel_loop3A_212 = arith.constant 1 : i32
        %parallel_loop3A_213 = arith.subi %parallel_loop3A_192, %parallel_loop3A_212 : i32
        %parallel_loop3A_214 = arith.select %parallel_loop3A_211, %parallel_loop3A_213, %parallel_loop3A_192 : i32
        %parallel_loop3A_215 = arith.addi %parallel_loop3A_190, %parallel_loop3A_214 : i32
        %parallel_loop3A_216 = vector.broadcast %parallel_loop3A_215 : i32 to vector<16xi32>
        %parallel_loop3A_217 = arith.addi %broadcast_in_dim3A_7, %parallel_loop3A_216 : vector<16xi32>
        %parallel_loop3A_218 = tpu.vector_load_idx %arg6[%parallel_loop3A_188, %parallel_loop3A_217] : memref<64x256xf32, #tpu.memory_space<vmem>>[vector<16xi32>, vector<16xi32>], vector<16xf32>,
        %parallel_loop3A_219 = arith.constant 64 : i32
        %parallel_loop3A_220 = arith.divsi %parallel_loop3A_50, %parallel_loop3A_219 : i32
        %parallel_loop3A_221 = arith.constant 0 : i32
        %parallel_loop3A_222 = arith.cmpi sgt, %parallel_loop3A_50, %parallel_loop3A_221 : i32
        %parallel_loop3A_223 = arith.extui %parallel_loop3A_222 : i1 to i32
        %parallel_loop3A_224 = arith.constant 0 : i32
        %parallel_loop3A_225 = arith.cmpi slt, %parallel_loop3A_50, %parallel_loop3A_224 : i32
        %parallel_loop3A_226 = arith.extui %parallel_loop3A_225 : i1 to i32
        %parallel_loop3A_227 = arith.subi %parallel_loop3A_223, %parallel_loop3A_226 : i32
        %parallel_loop3A_228 = arith.constant 0 : i32
        %parallel_loop3A_229 = arith.cmpi sgt, %parallel_loop3A_219, %parallel_loop3A_228 : i32
        %parallel_loop3A_230 = arith.extui %parallel_loop3A_229 : i1 to i32
        %parallel_loop3A_231 = arith.constant 0 : i32
        %parallel_loop3A_232 = arith.cmpi slt, %parallel_loop3A_219, %parallel_loop3A_231 : i32
        %parallel_loop3A_233 = arith.extui %parallel_loop3A_232 : i1 to i32
        %parallel_loop3A_234 = arith.subi %parallel_loop3A_230, %parallel_loop3A_233 : i32
        %parallel_loop3A_235 = arith.cmpi ne, %parallel_loop3A_227, %parallel_loop3A_234 : i32
        %parallel_loop3A_236 = arith.remsi %parallel_loop3A_50, %parallel_loop3A_219 : i32
        %parallel_loop3A_237 = arith.constant 0 : i32
        %parallel_loop3A_238 = arith.cmpi ne, %parallel_loop3A_236, %parallel_loop3A_237 : i32
        %parallel_loop3A_239 = arith.andi %parallel_loop3A_235, %parallel_loop3A_238 : i1
        %parallel_loop3A_240 = arith.constant 1 : i32
        %parallel_loop3A_241 = arith.subi %parallel_loop3A_220, %parallel_loop3A_240 : i32
        %parallel_loop3A_242 = arith.select %parallel_loop3A_239, %parallel_loop3A_241, %parallel_loop3A_220 : i32
        %parallel_loop3A_243 = arith.constant 128 : i32
        %parallel_loop3A_244 = arith.muli %parallel_loop3A_242, %parallel_loop3A_243 : i32
        %parallel_loop3A_245 = arith.constant 64 : i32
        %parallel_loop3A_246 = arith.constant 0 : i32
        %parallel_loop3A_247 = arith.cmpi eq, %parallel_loop3A_245, %parallel_loop3A_246 : i32
        %parallel_loop3A_248 = arith.constant 1 : i32
        %parallel_loop3A_249 = arith.select %parallel_loop3A_247, %parallel_loop3A_248, %parallel_loop3A_245 : i32
        %parallel_loop3A_250 = arith.remsi %parallel_loop3A_50, %parallel_loop3A_249 : i32
        %parallel_loop3A_251 = arith.constant 0 : i32
        %parallel_loop3A_252 = arith.cmpi ne, %parallel_loop3A_250, %parallel_loop3A_251 : i32
        %parallel_loop3A_253 = arith.constant 0 : i32
        %parallel_loop3A_254 = arith.cmpi slt, %parallel_loop3A_250, %parallel_loop3A_253 : i32
        %parallel_loop3A_255 = arith.constant 0 : i32
        %parallel_loop3A_256 = arith.cmpi slt, %parallel_loop3A_249, %parallel_loop3A_255 : i32
        %parallel_loop3A_257 = arith.xori %parallel_loop3A_254, %parallel_loop3A_256 : i1
        %parallel_loop3A_258 = arith.andi %parallel_loop3A_257, %parallel_loop3A_252 : i1
        %parallel_loop3A_259 = arith.addi %parallel_loop3A_250, %parallel_loop3A_249 : i32
        %parallel_loop3A_260 = arith.select %parallel_loop3A_258, %parallel_loop3A_259, %parallel_loop3A_250 : i32
        %parallel_loop3A_261 = arith.addi %parallel_loop3A_244, %parallel_loop3A_260 : i32
        %parallel_loop3A_262 = arith.index_cast %parallel_loop3A_50 : i32 to index
        %parallel_loop3A_263 = tpu.vector_load %arg7[%parallel_loop3A_262] {strides = array<i32>} : memref<640xf32, #tpu.memory_space<vmem>>, vector<16xf32>,
        tpu.vector_store %arg7[%parallel_loop3A_262], %parallel_loop3A_218 {strides = array<i32>} : memref<640xf32, #tpu.memory_space<vmem>>, vector<16xf32>,
        %parallel_loop3A_264 = arith.index_cast %parallel_loop3A_261 : i32 to index
        %parallel_loop3A_265 = tpu.vector_load %arg15[%parallel_loop3A_264] {strides = array<i32>} : memref<1280xf32, #tpu.memory_space<vmem>>, vector<16xf32>,
        tpu.vector_store %arg15[%parallel_loop3A_264], %parallel_loop3A_218 {strides = array<i32>} : memref<1280xf32, #tpu.memory_space<vmem>>, vector<16xf32>,
        %parallel_loop3A_266 = arith.index_cast %parallel_loop3A_50 : i32 to index
        %parallel_loop3A_267 = tpu.vector_load %arg12[%parallel_loop3A_266] {strides = array<i32>} : memref<640xf32, #tpu.memory_space<vmem>>, vector<16xf32>,
        tpu.vector_store %arg12[%parallel_loop3A_266], %parallel_loop3A_170 {strides = array<i32>} : memref<640xf32, #tpu.memory_space<vmem>>, vector<16xf32>,
        %parallel_loop3A_268 = arith.mulf %parallel_loop3A_170, %parallel_loop3A_170 : vector<16xf32>
        %parallel_loop3A_269 = arith.index_cast %parallel_loop3A_261 : i32 to index
        %parallel_loop3A_270 = tpu.vector_load %arg13[%parallel_loop3A_269] {strides = array<i32>} : memref<1280xf32, #tpu.memory_space<vmem>>, vector<16xf32>,
        tpu.vector_store %arg13[%parallel_loop3A_269], %parallel_loop3A_268 {strides = array<i32>} : memref<1280xf32, #tpu.memory_space<vmem>>, vector<16xf32>,
        %parallel_loop3A_271 = arith.mulf %parallel_loop3A_218, %parallel_loop3A_170 : vector<16xf32>
        %parallel_loop3A_272 = arith.index_cast %parallel_loop3A_50 : i32 to index
        %parallel_loop3A_273 = tpu.vector_load %arg10[%parallel_loop3A_272] {strides = array<i32>} : memref<640xf32, #tpu.memory_space<vmem>>, vector<16xf32>,
        tpu.vector_store %arg10[%parallel_loop3A_272], %parallel_loop3A_271 {strides = array<i32>} : memref<640xf32, #tpu.memory_space<vmem>>, vector<16xf32>,
      } {sc.loop_unroll_factor = 4 : i64, sc.parallel_access}
      "tpu.region"() ({
        %run_scoped3A = tpu.sem_alloc : memref<!tpu.dma_semaphore, #tpu.memory_space<semaphore_mem>>
        %dma_start3A = tpu.memref_slice %arg18[%mul3A_2] : memref<10240xf32, #tpu.memory_space<vmem_shared>> -> memref<640xf32, #tpu.memory_space<vmem_shared>>
        %dma_start3A_48 = tpu.memref_slice %arg18[%mul3A_2] : memref<10240xf32, #tpu.memory_space<vmem_shared>> -> memref<640xf32, #tpu.memory_space<vmem_shared>>
        tpu.enqueue_dma source(%arg10 : memref<640xf32, #tpu.memory_space<vmem>>) target(%dma_start3A_48 : memref<640xf32, #tpu.memory_space<vmem_shared>>) target_semaphore(%run_scoped3A : memref<!tpu.dma_semaphore, #tpu.memory_space<semaphore_mem>>)
        %dma_wait3A = tpu.memref_slice %arg18[%mul3A_2] : memref<10240xf32, #tpu.memory_space<vmem_shared>> -> memref<640xf32, #tpu.memory_space<vmem_shared>>
        %dma_wait3A_49 = tpu.memref_slice %arg18[%mul3A_2] : memref<10240xf32, #tpu.memory_space<vmem_shared>> -> memref<640xf32, #tpu.memory_space<vmem_shared>>
        tpu.wait_dma2 semaphore(%run_scoped3A : memref<!tpu.dma_semaphore, #tpu.memory_space<semaphore_mem>>) src(%arg10 : memref<640xf32, #tpu.memory_space<vmem>>) dst(%dma_wait3A_49 : memref<640xf32, #tpu.memory_space<vmem_shared>>)
        tpu.yield
      }) : () -> ()
    } else {
    }
    %barrier3A_34 = arith.constant 0 : index
    tpu.barrier barrier_id(%barrier3A_34)
    %eq3A_35 = arith.constant 0 : i32
    %eq3A_36 = arith.cmpi eq, %arg0, %eq3A_35 : i32
    %convert_element_type3A_37 = arith.extui %eq3A_36 : i1 to i32
    %cond3A_38 = arith.constant 0 : i32
    %cond3A_39 = arith.cmpi ne, %convert_element_type3A_37, %cond3A_38 : i32
    scf.if %cond3A_39 {
      "tpu.region"() ({
        %run_scoped3A = tpu.sem_alloc : memref<!tpu.dma_semaphore, #tpu.memory_space<semaphore_mem>>
        tpu.enqueue_dma source(%arg18 : memref<10240xf32, #tpu.memory_space<vmem_shared>>) target(%arg11 : memref<10240xf32, #tpu.memory_space<vmem>>) target_semaphore(%run_scoped3A : memref<!tpu.dma_semaphore, #tpu.memory_space<semaphore_mem>>)
        tpu.wait_dma2 semaphore(%run_scoped3A : memref<!tpu.dma_semaphore, #tpu.memory_space<semaphore_mem>>) src(%arg18 : memref<10240xf32, #tpu.memory_space<vmem_shared>>) dst(%arg11 : memref<10240xf32, #tpu.memory_space<vmem>>)
        tpu.yield
      }) : () -> ()
      %parallel_loop3A = arith.constant 0 : i32
      %parallel_loop3A_46 = arith.constant 625 : i32
      %parallel_loop3A_47 = arith.constant 1 : i32
      scf.for %parallel_loop3A_48 = %parallel_loop3A to %parallel_loop3A_46 step %parallel_loop3A_47  : i32 {
        %parallel_loop3A_49 = arith.constant 16 : i32
        %parallel_loop3A_50 = arith.muli %parallel_loop3A_48, %parallel_loop3A_49 : i32
        %parallel_loop3A_51 = arith.addi %sub3A_26, %parallel_loop3A_50 : i32
        %parallel_loop3A_52 = arith.constant 0 : i32
        %parallel_loop3A_53 = arith.index_cast %parallel_loop3A_52 : i32 to index
        %parallel_loop3A_54 = arith.index_cast %parallel_loop3A_51 : i32 to index
        %parallel_loop3A_55 = tpu.vector_load %arg5[%parallel_loop3A_53, %parallel_loop3A_54] {strides = array<i32>} : memref<2x10112xi32, #tpu.memory_space<vmem>>, vector<16xi32>,
        %parallel_loop3A_56 = arith.constant 1 : i32
        %parallel_loop3A_57 = arith.index_cast %parallel_loop3A_56 : i32 to index
        %parallel_loop3A_58 = arith.index_cast %parallel_loop3A_51 : i32 to index
        %parallel_loop3A_59 = tpu.vector_load %arg5[%parallel_loop3A_57, %parallel_loop3A_58] {strides = array<i32>} : memref<2x10112xi32, #tpu.memory_space<vmem>>, vector<16xi32>,
        %parallel_loop3A_60 = tpu.vector_load_idx %arg11[%parallel_loop3A_55] : memref<10240xf32, #tpu.memory_space<vmem>>[vector<16xi32>], vector<16xf32>,
        tpu.vector_store_idx %arg9[%parallel_loop3A_59], %parallel_loop3A_60 {add = true} : memref<10240xf32, #tpu.memory_space<vmem>>[vector<16xi32>], vector<16xf32>,
      } {sc.loop_unroll_factor = 5 : i64, sc.parallel_access}
      "tpu.region"() ({
        %run_scoped3A = tpu.sem_alloc : memref<!tpu.dma_semaphore, #tpu.memory_space<semaphore_mem>>
        %dma_start3A = arith.constant 0 : i32
        %dma_start3A_48 = tpu.memref_slice %arg17[%arg1, %dma_start3A] : memref<16x10240xf32, #tpu.memory_space<vmem_shared>> -> memref<1x10240xf32, #tpu.memory_space<vmem_shared>>
        %dma_start3A_49 = tpu.memref_squeeze %dma_start3A_48 : memref<1x10240xf32, #tpu.memory_space<vmem_shared>> -> memref<10240xf32, #tpu.memory_space<vmem_shared>>
        %dma_start3A_50 = arith.constant 0 : i32
        %dma_start3A_51 = tpu.memref_slice %arg17[%arg1, %dma_start3A_50] : memref<16x10240xf32, #tpu.memory_space<vmem_shared>> -> memref<1x10240xf32, #tpu.memory_space<vmem_shared>>
        %dma_start3A_52 = tpu.memref_squeeze %dma_start3A_51 : memref<1x10240xf32, #tpu.memory_space<vmem_shared>> -> memref<10240xf32, #tpu.memory_space<vmem_shared>>
        tpu.enqueue_dma source(%arg9 : memref<10240xf32, #tpu.memory_space<vmem>>) target(%dma_start3A_52 : memref<10240xf32, #tpu.memory_space<vmem_shared>>) target_semaphore(%run_scoped3A : memref<!tpu.dma_semaphore, #tpu.memory_space<semaphore_mem>>)
        %dma_wait3A = arith.constant 0 : i32
        %dma_wait3A_53 = tpu.memref_slice %arg17[%arg1, %dma_wait3A] : memref<16x10240xf32, #tpu.memory_space<vmem_shared>> -> memref<1x10240xf32, #tpu.memory_space<vmem_shared>>
        %dma_wait3A_54 = tpu.memref_squeeze %dma_wait3A_53 : memref<1x10240xf32, #tpu.memory_space<vmem_shared>> -> memref<10240xf32, #tpu.memory_space<vmem_shared>>
        %dma_wait3A_55 = arith.constant 0 : i32
        %dma_wait3A_56 = tpu.memref_slice %arg17[%arg1, %dma_wait3A_55] : memref<16x10240xf32, #tpu.memory_space<vmem_shared>> -> memref<1x10240xf32, #tpu.memory_space<vmem_shared>>
        %dma_wait3A_57 = tpu.memref_squeeze %dma_wait3A_56 : memref<1x10240xf32, #tpu.memory_space<vmem_shared>> -> memref<10240xf32, #tpu.memory_space<vmem_shared>>
        tpu.wait_dma2 semaphore(%run_scoped3A : memref<!tpu.dma_semaphore, #tpu.memory_space<semaphore_mem>>) src(%arg9 : memref<10240xf32, #tpu.memory_space<vmem>>) dst(%dma_wait3A_57 : memref<10240xf32, #tpu.memory_space<vmem_shared>>)
        tpu.yield
      }) : () -> ()
    } else {
    }
    %barrier3A_40 = arith.constant 0 : index
    tpu.barrier barrier_id(%barrier3A_40)
    %eq3A_41 = arith.constant 0 : i32
    %eq3A_42 = arith.cmpi eq, %arg0, %eq3A_41 : i32
    %convert_element_type3A_43 = arith.extui %eq3A_42 : i1 to i32
    %cond3A_44 = arith.constant 0 : i32
    %cond3A_45 = arith.cmpi ne, %convert_element_type3A_43, %cond3A_44 : i32
    scf.if %cond3A_45 {
      "tpu.region"() ({
        %run_scoped3A = tpu.sem_alloc : memref<!tpu.dma_semaphore, #tpu.memory_space<semaphore_mem>>
        %dma_start3A = arith.constant 0 : i32
        %dma_start3A_53 = tpu.memref_slice %arg17[%dma_start3A, %mul3A_2] : memref<16x10240xf32, #tpu.memory_space<vmem_shared>> -> memref<16x640xf32, #tpu.memory_space<vmem_shared>>
        %dma_start3A_54 = arith.constant 0 : i32
        %dma_start3A_55 = tpu.memref_slice %arg17[%dma_start3A_54, %mul3A_2] : memref<16x10240xf32, #tpu.memory_space<vmem_shared>> -> memref<16x640xf32, #tpu.memory_space<vmem_shared>>
        tpu.enqueue_dma source(%dma_start3A_55 : memref<16x640xf32, #tpu.memory_space<vmem_shared>>) target(%arg16 : memref<16x640xf32, #tpu.memory_space<vmem>>) target_semaphore(%run_scoped3A : memref<!tpu.dma_semaphore, #tpu.memory_space<semaphore_mem>>)
        %dma_wait3A = arith.constant 0 : i32
        %dma_wait3A_56 = tpu.memref_slice %arg17[%dma_wait3A, %mul3A_2] : memref<16x10240xf32, #tpu.memory_space<vmem_shared>> -> memref<16x640xf32, #tpu.memory_space<vmem_shared>>
        %dma_wait3A_57 = arith.constant 0 : i32
        %dma_wait3A_58 = tpu.memref_slice %arg17[%dma_wait3A_57, %mul3A_2] : memref<16x10240xf32, #tpu.memory_space<vmem_shared>> -> memref<16x640xf32, #tpu.memory_space<vmem_shared>>
        tpu.wait_dma2 semaphore(%run_scoped3A : memref<!tpu.dma_semaphore, #tpu.memory_space<semaphore_mem>>) src(%dma_wait3A_58 : memref<16x640xf32, #tpu.memory_space<vmem_shared>>) dst(%arg16 : memref<16x640xf32, #tpu.memory_space<vmem>>)
        tpu.yield
      }) : () -> ()
      %parallel_loop3A = arith.constant 0 : i32
      %parallel_loop3A_46 = arith.constant 40 : i32
      %parallel_loop3A_47 = arith.constant 1 : i32
      scf.for %parallel_loop3A_53 = %parallel_loop3A to %parallel_loop3A_46 step %parallel_loop3A_47  : i32 {
        %parallel_loop3A_54 = arith.constant 16 : i32
        %parallel_loop3A_55 = arith.muli %parallel_loop3A_53, %parallel_loop3A_54 : i32
        %parallel_loop3A_56 = arith.constant 0 : i32
        %parallel_loop3A_57 = arith.index_cast %parallel_loop3A_56 : i32 to index
        %parallel_loop3A_58 = arith.index_cast %parallel_loop3A_55 : i32 to index
        %parallel_loop3A_59 = tpu.vector_load %arg16[%parallel_loop3A_57, %parallel_loop3A_58] {strides = array<i32>} : memref<16x640xf32, #tpu.memory_space<vmem>>, vector<16xf32>,
        %parallel_loop3A_60 = arith.constant 1 : i32
        %parallel_loop3A_61 = arith.index_cast %parallel_loop3A_60 : i32 to index
        %parallel_loop3A_62 = arith.index_cast %parallel_loop3A_55 : i32 to index
        %parallel_loop3A_63 = tpu.vector_load %arg16[%parallel_loop3A_61, %parallel_loop3A_62] {strides = array<i32>} : memref<16x640xf32, #tpu.memory_space<vmem>>, vector<16xf32>,
        %parallel_loop3A_64 = arith.addf %parallel_loop3A_59, %parallel_loop3A_63 : vector<16xf32>
        %parallel_loop3A_65 = arith.constant 2 : i32
        %parallel_loop3A_66 = arith.index_cast %parallel_loop3A_65 : i32 to index
        %parallel_loop3A_67 = arith.index_cast %parallel_loop3A_55 : i32 to index
        %parallel_loop3A_68 = tpu.vector_load %arg16[%parallel_loop3A_66, %parallel_loop3A_67] {strides = array<i32>} : memref<16x640xf32, #tpu.memory_space<vmem>>, vector<16xf32>,
        %parallel_loop3A_69 = arith.addf %parallel_loop3A_64, %parallel_loop3A_68 : vector<16xf32>
        %parallel_loop3A_70 = arith.constant 3 : i32
        %parallel_loop3A_71 = arith.index_cast %parallel_loop3A_70 : i32 to index
        %parallel_loop3A_72 = arith.index_cast %parallel_loop3A_55 : i32 to index
        %parallel_loop3A_73 = tpu.vector_load %arg16[%parallel_loop3A_71, %parallel_loop3A_72] {strides = array<i32>} : memref<16x640xf32, #tpu.memory_space<vmem>>, vector<16xf32>,
        %parallel_loop3A_74 = arith.addf %parallel_loop3A_69, %parallel_loop3A_73 : vector<16xf32>
        %parallel_loop3A_75 = arith.constant 4 : i32
        %parallel_loop3A_76 = arith.index_cast %parallel_loop3A_75 : i32 to index
        %parallel_loop3A_77 = arith.index_cast %parallel_loop3A_55 : i32 to index
        %parallel_loop3A_78 = tpu.vector_load %arg16[%parallel_loop3A_76, %parallel_loop3A_77] {strides = array<i32>} : memref<16x640xf32, #tpu.memory_space<vmem>>, vector<16xf32>,
        %parallel_loop3A_79 = arith.addf %parallel_loop3A_74, %parallel_loop3A_78 : vector<16xf32>
        %parallel_loop3A_80 = arith.constant 5 : i32
        %parallel_loop3A_81 = arith.index_cast %parallel_loop3A_80 : i32 to index
        %parallel_loop3A_82 = arith.index_cast %parallel_loop3A_55 : i32 to index
        %parallel_loop3A_83 = tpu.vector_load %arg16[%parallel_loop3A_81, %parallel_loop3A_82] {strides = array<i32>} : memref<16x640xf32, #tpu.memory_space<vmem>>, vector<16xf32>,
        %parallel_loop3A_84 = arith.addf %parallel_loop3A_79, %parallel_loop3A_83 : vector<16xf32>
        %parallel_loop3A_85 = arith.constant 6 : i32
        %parallel_loop3A_86 = arith.index_cast %parallel_loop3A_85 : i32 to index
        %parallel_loop3A_87 = arith.index_cast %parallel_loop3A_55 : i32 to index
        %parallel_loop3A_88 = tpu.vector_load %arg16[%parallel_loop3A_86, %parallel_loop3A_87] {strides = array<i32>} : memref<16x640xf32, #tpu.memory_space<vmem>>, vector<16xf32>,
        %parallel_loop3A_89 = arith.addf %parallel_loop3A_84, %parallel_loop3A_88 : vector<16xf32>
        %parallel_loop3A_90 = arith.constant 7 : i32
        %parallel_loop3A_91 = arith.index_cast %parallel_loop3A_90 : i32 to index
        %parallel_loop3A_92 = arith.index_cast %parallel_loop3A_55 : i32 to index
        %parallel_loop3A_93 = tpu.vector_load %arg16[%parallel_loop3A_91, %parallel_loop3A_92] {strides = array<i32>} : memref<16x640xf32, #tpu.memory_space<vmem>>, vector<16xf32>,
        %parallel_loop3A_94 = arith.addf %parallel_loop3A_89, %parallel_loop3A_93 : vector<16xf32>
        %parallel_loop3A_95 = arith.constant 8 : i32
        %parallel_loop3A_96 = arith.index_cast %parallel_loop3A_95 : i32 to index
        %parallel_loop3A_97 = arith.index_cast %parallel_loop3A_55 : i32 to index
        %parallel_loop3A_98 = tpu.vector_load %arg16[%parallel_loop3A_96, %parallel_loop3A_97] {strides = array<i32>} : memref<16x640xf32, #tpu.memory_space<vmem>>, vector<16xf32>,
        %parallel_loop3A_99 = arith.addf %parallel_loop3A_94, %parallel_loop3A_98 : vector<16xf32>
        %parallel_loop3A_100 = arith.constant 9 : i32
        %parallel_loop3A_101 = arith.index_cast %parallel_loop3A_100 : i32 to index
        %parallel_loop3A_102 = arith.index_cast %parallel_loop3A_55 : i32 to index
        %parallel_loop3A_103 = tpu.vector_load %arg16[%parallel_loop3A_101, %parallel_loop3A_102] {strides = array<i32>} : memref<16x640xf32, #tpu.memory_space<vmem>>, vector<16xf32>,
        %parallel_loop3A_104 = arith.addf %parallel_loop3A_99, %parallel_loop3A_103 : vector<16xf32>
        %parallel_loop3A_105 = arith.constant 10 : i32
        %parallel_loop3A_106 = arith.index_cast %parallel_loop3A_105 : i32 to index
        %parallel_loop3A_107 = arith.index_cast %parallel_loop3A_55 : i32 to index
        %parallel_loop3A_108 = tpu.vector_load %arg16[%parallel_loop3A_106, %parallel_loop3A_107] {strides = array<i32>} : memref<16x640xf32, #tpu.memory_space<vmem>>, vector<16xf32>,
        %parallel_loop3A_109 = arith.addf %parallel_loop3A_104, %parallel_loop3A_108 : vector<16xf32>
        %parallel_loop3A_110 = arith.constant 11 : i32
        %parallel_loop3A_111 = arith.index_cast %parallel_loop3A_110 : i32 to index
        %parallel_loop3A_112 = arith.index_cast %parallel_loop3A_55 : i32 to index
        %parallel_loop3A_113 = tpu.vector_load %arg16[%parallel_loop3A_111, %parallel_loop3A_112] {strides = array<i32>} : memref<16x640xf32, #tpu.memory_space<vmem>>, vector<16xf32>,
        %parallel_loop3A_114 = arith.addf %parallel_loop3A_109, %parallel_loop3A_113 : vector<16xf32>
        %parallel_loop3A_115 = arith.constant 12 : i32
        %parallel_loop3A_116 = arith.index_cast %parallel_loop3A_115 : i32 to index
        %parallel_loop3A_117 = arith.index_cast %parallel_loop3A_55 : i32 to index
        %parallel_loop3A_118 = tpu.vector_load %arg16[%parallel_loop3A_116, %parallel_loop3A_117] {strides = array<i32>} : memref<16x640xf32, #tpu.memory_space<vmem>>, vector<16xf32>,
        %parallel_loop3A_119 = arith.addf %parallel_loop3A_114, %parallel_loop3A_118 : vector<16xf32>
        %parallel_loop3A_120 = arith.constant 13 : i32
        %parallel_loop3A_121 = arith.index_cast %parallel_loop3A_120 : i32 to index
        %parallel_loop3A_122 = arith.index_cast %parallel_loop3A_55 : i32 to index
        %parallel_loop3A_123 = tpu.vector_load %arg16[%parallel_loop3A_121, %parallel_loop3A_122] {strides = array<i32>} : memref<16x640xf32, #tpu.memory_space<vmem>>, vector<16xf32>,
        %parallel_loop3A_124 = arith.addf %parallel_loop3A_119, %parallel_loop3A_123 : vector<16xf32>
        %parallel_loop3A_125 = arith.constant 14 : i32
        %parallel_loop3A_126 = arith.index_cast %parallel_loop3A_125 : i32 to index
        %parallel_loop3A_127 = arith.index_cast %parallel_loop3A_55 : i32 to index
        %parallel_loop3A_128 = tpu.vector_load %arg16[%parallel_loop3A_126, %parallel_loop3A_127] {strides = array<i32>} : memref<16x640xf32, #tpu.memory_space<vmem>>, vector<16xf32>,
        %parallel_loop3A_129 = arith.addf %parallel_loop3A_124, %parallel_loop3A_128 : vector<16xf32>
        %parallel_loop3A_130 = arith.constant 15 : i32
        %parallel_loop3A_131 = arith.index_cast %parallel_loop3A_130 : i32 to index
        %parallel_loop3A_132 = arith.index_cast %parallel_loop3A_55 : i32 to index
        %parallel_loop3A_133 = tpu.vector_load %arg16[%parallel_loop3A_131, %parallel_loop3A_132] {strides = array<i32>} : memref<16x640xf32, #tpu.memory_space<vmem>>, vector<16xf32>,
        %parallel_loop3A_134 = arith.addf %parallel_loop3A_129, %parallel_loop3A_133 : vector<16xf32>
        %parallel_loop3A_135 = arith.constant 64 : i32
        %parallel_loop3A_136 = arith.divsi %parallel_loop3A_55, %parallel_loop3A_135 : i32
        %parallel_loop3A_137 = arith.constant 0 : i32
        %parallel_loop3A_138 = arith.cmpi sgt, %parallel_loop3A_55, %parallel_loop3A_137 : i32
        %parallel_loop3A_139 = arith.extui %parallel_loop3A_138 : i1 to i32
        %parallel_loop3A_140 = arith.constant 0 : i32
        %parallel_loop3A_141 = arith.cmpi slt, %parallel_loop3A_55, %parallel_loop3A_140 : i32
        %parallel_loop3A_142 = arith.extui %parallel_loop3A_141 : i1 to i32
        %parallel_loop3A_143 = arith.subi %parallel_loop3A_139, %parallel_loop3A_142 : i32
        %parallel_loop3A_144 = arith.constant 0 : i32
        %parallel_loop3A_145 = arith.cmpi sgt, %parallel_loop3A_135, %parallel_loop3A_144 : i32
        %parallel_loop3A_146 = arith.extui %parallel_loop3A_145 : i1 to i32
        %parallel_loop3A_147 = arith.constant 0 : i32
        %parallel_loop3A_148 = arith.cmpi slt, %parallel_loop3A_135, %parallel_loop3A_147 : i32
        %parallel_loop3A_149 = arith.extui %parallel_loop3A_148 : i1 to i32
        %parallel_loop3A_150 = arith.subi %parallel_loop3A_146, %parallel_loop3A_149 : i32
        %parallel_loop3A_151 = arith.cmpi ne, %parallel_loop3A_143, %parallel_loop3A_150 : i32
        %parallel_loop3A_152 = arith.remsi %parallel_loop3A_55, %parallel_loop3A_135 : i32
        %parallel_loop3A_153 = arith.constant 0 : i32
        %parallel_loop3A_154 = arith.cmpi ne, %parallel_loop3A_152, %parallel_loop3A_153 : i32
        %parallel_loop3A_155 = arith.andi %parallel_loop3A_151, %parallel_loop3A_154 : i1
        %parallel_loop3A_156 = arith.constant 1 : i32
        %parallel_loop3A_157 = arith.subi %parallel_loop3A_136, %parallel_loop3A_156 : i32
        %parallel_loop3A_158 = arith.select %parallel_loop3A_155, %parallel_loop3A_157, %parallel_loop3A_136 : i32
        %parallel_loop3A_159 = arith.constant 128 : i32
        %parallel_loop3A_160 = arith.muli %parallel_loop3A_158, %parallel_loop3A_159 : i32
        %parallel_loop3A_161 = arith.constant 64 : i32
        %parallel_loop3A_162 = arith.constant 0 : i32
        %parallel_loop3A_163 = arith.cmpi eq, %parallel_loop3A_161, %parallel_loop3A_162 : i32
        %parallel_loop3A_164 = arith.constant 1 : i32
        %parallel_loop3A_165 = arith.select %parallel_loop3A_163, %parallel_loop3A_164, %parallel_loop3A_161 : i32
        %parallel_loop3A_166 = arith.remsi %parallel_loop3A_55, %parallel_loop3A_165 : i32
        %parallel_loop3A_167 = arith.constant 0 : i32
        %parallel_loop3A_168 = arith.cmpi ne, %parallel_loop3A_166, %parallel_loop3A_167 : i32
        %parallel_loop3A_169 = arith.constant 0 : i32
        %parallel_loop3A_170 = arith.cmpi slt, %parallel_loop3A_166, %parallel_loop3A_169 : i32
        %parallel_loop3A_171 = arith.constant 0 : i32
        %parallel_loop3A_172 = arith.cmpi slt, %parallel_loop3A_165, %parallel_loop3A_171 : i32
        %parallel_loop3A_173 = arith.xori %parallel_loop3A_170, %parallel_loop3A_172 : i1
        %parallel_loop3A_174 = arith.andi %parallel_loop3A_173, %parallel_loop3A_168 : i1
        %parallel_loop3A_175 = arith.addi %parallel_loop3A_166, %parallel_loop3A_165 : i32
        %parallel_loop3A_176 = arith.select %parallel_loop3A_174, %parallel_loop3A_175, %parallel_loop3A_166 : i32
        %parallel_loop3A_177 = arith.addi %parallel_loop3A_160, %parallel_loop3A_176 : i32
        %parallel_loop3A_178 = arith.index_cast %parallel_loop3A_55 : i32 to index
        %parallel_loop3A_179 = tpu.vector_load %arg12[%parallel_loop3A_178] {strides = array<i32>} : memref<640xf32, #tpu.memory_space<vmem>>, vector<16xf32>,
        %parallel_loop3A_180 = arith.constant 6.400000e+01 : f32
        %parallel_loop3A_181 = vector.broadcast %parallel_loop3A_180 : f32 to vector<16xf32>
        %parallel_loop3A_182 = arith.mulf %parallel_loop3A_181, %parallel_loop3A_179 : vector<16xf32>
        %parallel_loop3A_183 = arith.mulf %parallel_loop3A_182, %parallel_loop3A_134 : vector<16xf32>
        %parallel_loop3A_184 = arith.index_cast %parallel_loop3A_177 : i32 to index
        %parallel_loop3A_185 = tpu.vector_load %arg14[%parallel_loop3A_184] {strides = array<i32>} : memref<1280xf32, #tpu.memory_space<vmem>>, vector<16xf32>,
        tpu.vector_store %arg14[%parallel_loop3A_184], %parallel_loop3A_183 {strides = array<i32>} : memref<1280xf32, #tpu.memory_space<vmem>>, vector<16xf32>,
      } {sc.loop_unroll_factor = 4 : i64, sc.parallel_access}
      %mul3A_48 = arith.constant 1280 : i32
      %mul3A_49 = arith.muli %arg1, %mul3A_48 : i32
      "tpu.region"() ({
        %run_scoped3A = tpu.sem_alloc : memref<!tpu.dma_semaphore, #tpu.memory_space<semaphore_mem>>
        %dma_start3A = tpu.memref_slice %arg4[%mul3A_49] : memref<61440xf32, #tpu.memory_space<hbm>> -> memref<1280xf32, #tpu.memory_space<hbm>>
        %dma_start3A_53 = tpu.memref_slice %arg4[%mul3A_49] : memref<61440xf32, #tpu.memory_space<hbm>> -> memref<1280xf32, #tpu.memory_space<hbm>>
        tpu.enqueue_dma source(%arg13 : memref<1280xf32, #tpu.memory_space<vmem>>) target(%dma_start3A_53 : memref<1280xf32, #tpu.memory_space<hbm>>) target_semaphore(%run_scoped3A : memref<!tpu.dma_semaphore, #tpu.memory_space<semaphore_mem>>)
        %dma_wait3A = tpu.memref_slice %arg4[%mul3A_49] : memref<61440xf32, #tpu.memory_space<hbm>> -> memref<1280xf32, #tpu.memory_space<hbm>>
        %dma_wait3A_54 = tpu.memref_slice %arg4[%mul3A_49] : memref<61440xf32, #tpu.memory_space<hbm>> -> memref<1280xf32, #tpu.memory_space<hbm>>
        tpu.wait_dma2 semaphore(%run_scoped3A : memref<!tpu.dma_semaphore, #tpu.memory_space<semaphore_mem>>) src(%arg13 : memref<1280xf32, #tpu.memory_space<vmem>>) dst(%dma_wait3A_54 : memref<1280xf32, #tpu.memory_space<hbm>>)
        tpu.yield
      }) : () -> ()
      %add3A = arith.constant 20480 : i32
      %add3A_50 = arith.addi %add3A, %mul3A_49 : i32
      "tpu.region"() ({
        %run_scoped3A = tpu.sem_alloc : memref<!tpu.dma_semaphore, #tpu.memory_space<semaphore_mem>>
        %dma_start3A = tpu.memref_slice %arg4[%add3A_50] : memref<61440xf32, #tpu.memory_space<hbm>> -> memref<1280xf32, #tpu.memory_space<hbm>>
        %dma_start3A_53 = tpu.memref_slice %arg4[%add3A_50] : memref<61440xf32, #tpu.memory_space<hbm>> -> memref<1280xf32, #tpu.memory_space<hbm>>
        tpu.enqueue_dma source(%arg14 : memref<1280xf32, #tpu.memory_space<vmem>>) target(%dma_start3A_53 : memref<1280xf32, #tpu.memory_space<hbm>>) target_semaphore(%run_scoped3A : memref<!tpu.dma_semaphore, #tpu.memory_space<semaphore_mem>>)
        %dma_wait3A = tpu.memref_slice %arg4[%add3A_50] : memref<61440xf32, #tpu.memory_space<hbm>> -> memref<1280xf32, #tpu.memory_space<hbm>>
        %dma_wait3A_54 = tpu.memref_slice %arg4[%add3A_50] : memref<61440xf32, #tpu.memory_space<hbm>> -> memref<1280xf32, #tpu.memory_space<hbm>>
        tpu.wait_dma2 semaphore(%run_scoped3A : memref<!tpu.dma_semaphore, #tpu.memory_space<semaphore_mem>>) src(%arg14 : memref<1280xf32, #tpu.memory_space<vmem>>) dst(%dma_wait3A_54 : memref<1280xf32, #tpu.memory_space<hbm>>)
        tpu.yield
      }) : () -> ()
      %add3A_51 = arith.constant 40960 : i32
      %add3A_52 = arith.addi %add3A_51, %mul3A_49 : i32
      "tpu.region"() ({
        %run_scoped3A = tpu.sem_alloc : memref<!tpu.dma_semaphore, #tpu.memory_space<semaphore_mem>>
        %dma_start3A = tpu.memref_slice %arg4[%add3A_52] : memref<61440xf32, #tpu.memory_space<hbm>> -> memref<1280xf32, #tpu.memory_space<hbm>>
        %dma_start3A_53 = tpu.memref_slice %arg4[%add3A_52] : memref<61440xf32, #tpu.memory_space<hbm>> -> memref<1280xf32, #tpu.memory_space<hbm>>
        tpu.enqueue_dma source(%arg15 : memref<1280xf32, #tpu.memory_space<vmem>>) target(%dma_start3A_53 : memref<1280xf32, #tpu.memory_space<hbm>>) target_semaphore(%run_scoped3A : memref<!tpu.dma_semaphore, #tpu.memory_space<semaphore_mem>>)
        %dma_wait3A = tpu.memref_slice %arg4[%add3A_52] : memref<61440xf32, #tpu.memory_space<hbm>> -> memref<1280xf32, #tpu.memory_space<hbm>>
        %dma_wait3A_54 = tpu.memref_slice %arg4[%add3A_52] : memref<61440xf32, #tpu.memory_space<hbm>> -> memref<1280xf32, #tpu.memory_space<hbm>>
        tpu.wait_dma2 semaphore(%run_scoped3A : memref<!tpu.dma_semaphore, #tpu.memory_space<semaphore_mem>>) src(%arg15 : memref<1280xf32, #tpu.memory_space<vmem>>) dst(%dma_wait3A_54 : memref<1280xf32, #tpu.memory_space<hbm>>)
        tpu.yield
      }) : () -> ()
    } else {
    }
    return
  }
}

module attributes {stable_mosaic.version = 14 : i64} {
  func.func @_tc_main_body(%arg0: i32, %arg1: memref<1x1xf32, #tpu.memory_space<smem>>, %arg2: memref<1xf32, #tpu.memory_space<smem>>, %arg3: memref<64x2048xf32, #tpu.memory_space<vmem>>, %arg4: memref<2048x512xf32, #tpu.memory_space<vmem>>, %arg5: memref<64x512xf32, #tpu.memory_space<vmem>>) attributes {dimension_semantics = [#tpu.dimension_semantics<arbitrary>], iteration_bounds = array<i64: 6>, scalar_prefetch = 0 : i64, scratch_operands = 0 : i64, tpu.core_type = #tpu.core_type<tc>, window_params = [{transform_indices = @transform_0, window_bounds = array<i64: 1, 1>}, {transform_indices = @transform_1, window_bounds = array<i64: 1>}, {transform_indices = @transform_2, window_bounds = array<i64: 64, 2048>}, {transform_indices = @transform_3, window_bounds = array<i64: 2048, 512>}, {pipeline_mode = #tpu.pipeline_mode<synchronous>, transform_indices = @transform_4, window_bounds = array<i64: 64, 512>}]} {
    %get3A = arith.constant 0 : index
    %get3A_0 = arith.constant 0 : index
    %get3A_1 = memref.load %arg1[%get3A, %get3A_0] : memref<1x1xf32, #tpu.memory_space<smem>>
    %get3A_2 = arith.constant 0 : index
    %get3A_3 = memref.load %arg2[%get3A_2] : memref<1xf32, #tpu.memory_space<smem>>
    %get3A_4 = arith.constant 0 : index
    %get3A_5 = arith.constant 0 : index
    %get3A_6 = vector.load %arg3[%get3A_4, %get3A_5] : memref<64x2048xf32, #tpu.memory_space<vmem>>, vector<64x2048xf32>
    %mul3A = vector.broadcast %get3A_1 : f32 to vector<64x2048xf32>
    %mul3A_7 = arith.mulf %mul3A, %get3A_6 : vector<64x2048xf32>
    %add3A = vector.broadcast %get3A_3 : f32 to vector<64x2048xf32>
    %add3A_8 = arith.addf %mul3A_7, %add3A : vector<64x2048xf32>
    %max3A = arith.constant 0.000000e+00 : f32
    %max3A_9 = vector.broadcast %max3A : f32 to vector<64x2048xf32>
    %max3A_10 = arith.maximumf %add3A_8, %max3A_9 : vector<64x2048xf32>
    %mul3A_11 = arith.constant 2048 : i32
    %mul3A_12 = arith.muli %arg0, %mul3A_11 : i32
    %iota3A = tpu.iota {dimensions = array<i32: 1>} : vector<64x2048xi32>
    %add3A_13 = vector.broadcast %mul3A_12 : i32 to vector<64x2048xi32>
    %add3A_14 = arith.addi %add3A_13, %iota3A : vector<64x2048xi32>
    %lt3A = arith.constant 10000 : i32
    %lt3A_15 = vector.broadcast %lt3A : i32 to vector<64x2048xi32>
    %lt3A_16 = arith.cmpi slt, %add3A_14, %lt3A_15 : vector<64x2048xi32>
    %lt3A_17 = arith.constant 12000 : i32
    %lt3A_18 = vector.broadcast %lt3A_17 : i32 to vector<64x2048xi32>
    %lt3A_19 = arith.cmpi slt, %add3A_14, %lt3A_18 : vector<64x2048xi32>
    %jit3A = arith.constant 0.000000e+00 : f32
    %broadcast_in_dim3A = vector.broadcast %jit3A : f32 to vector<64x2048xf32>
    %select_n3A = arith.select %lt3A_19, %get3A_6, %broadcast_in_dim3A : vector<64x2048xi1>, vector<64x2048xf32>
    %select_n3A_20 = arith.select %lt3A_16, %max3A_10, %select_n3A : vector<64x2048xi1>, vector<64x2048xf32>
    %get3A_21 = arith.constant 0 : index
    %get3A_22 = arith.constant 0 : index
    %get3A_23 = vector.load %arg4[%get3A_21, %get3A_22] : memref<2048x512xf32, #tpu.memory_space<vmem>>, vector<2048x512xf32>
    %dot_general3A = arith.constant dense<0.000000e+00> : vector<64x512xf32>
    %dot_general3A_24 = tpu.matmul %select_n3A_20, %get3A_23, %dot_general3A {dimension_numbers = #tpu.dot_dimension_numbers<[1], [0], [0], [1], [0, 0, 1, 1], [], []>, transpose_lhs_hint = false} : vector<64x2048xf32>, vector<2048x512xf32>, vector<64x512xf32> -> vector<64x512xf32>
    %eq3A = arith.constant 0 : i32
    %eq3A_25 = arith.cmpi eq, %arg0, %eq3A : i32
    %convert_element_type3A = arith.extui %eq3A_25 : i1 to i32
    %cond3A = arith.constant 0 : i32
    %cond3A_26 = arith.cmpi ne, %convert_element_type3A, %cond3A : i32
    scf.if %cond3A_26 {
      %swap3A = arith.constant 0 : index
      %swap3A_31 = arith.constant 0 : index
      %swap3A_32 = vector.load %arg5[%swap3A, %swap3A_31] : memref<64x512xf32, #tpu.memory_space<vmem>>, vector<64x512xf32>
      tpu.vector_store %arg5[%swap3A, %swap3A_31], %dot_general3A_24 {strides = array<i32>} : memref<64x512xf32, #tpu.memory_space<vmem>>, vector<64x512xf32>,
    } else {
    }
    %ne3A = arith.constant 0 : i32
    %ne3A_27 = arith.cmpi ne, %arg0, %ne3A : i32
    %convert_element_type3A_28 = arith.extui %ne3A_27 : i1 to i32
    %cond3A_29 = arith.constant 0 : i32
    %cond3A_30 = arith.cmpi ne, %convert_element_type3A_28, %cond3A_29 : i32
    scf.if %cond3A_30 {
      %get3A_31 = arith.constant 0 : index
      %get3A_32 = arith.constant 0 : index
      %get3A_33 = vector.load %arg5[%get3A_31, %get3A_32] : memref<64x512xf32, #tpu.memory_space<vmem>>, vector<64x512xf32>
      %add3A_34 = arith.addf %get3A_33, %dot_general3A_24 : vector<64x512xf32>
      %swap3A = arith.constant 0 : index
      %swap3A_35 = arith.constant 0 : index
      %swap3A_36 = vector.load %arg5[%swap3A, %swap3A_35] : memref<64x512xf32, #tpu.memory_space<vmem>>, vector<64x512xf32>
      tpu.vector_store %arg5[%swap3A, %swap3A_35], %add3A_34 {strides = array<i32>} : memref<64x512xf32, #tpu.memory_space<vmem>>, vector<64x512xf32>,
    } else {
    }
    return
  }
  func.func @transform_0(%arg0: i32) -> (i32, i32) {
    %c0_i32 = arith.constant 0 : i32
    %c0_i32_0 = arith.constant 0 : i32
    %c0_i32_1 = arith.constant 0 : i32
    return %c0_i32, %c0_i32_0 : i32, i32
  }
  func.func @transform_1(%arg0: i32) -> i32 {
    %c0_i32 = arith.constant 0 : i32
    %c0_i32_0 = arith.constant 0 : i32
    return %c0_i32 : i32
  }
  func.func @transform_2(%arg0: i32) -> (i32, i32) {
    %c0_i32 = arith.constant 0 : i32
    %c0_i32_0 = arith.constant 0 : i32
    return %c0_i32, %arg0 : i32, i32
  }
  func.func @transform_3(%arg0: i32) -> (i32, i32) {
    %c0_i32 = arith.constant 0 : i32
    %c0_i32_0 = arith.constant 0 : i32
    return %arg0, %c0_i32 : i32, i32
  }
  func.func @transform_4(%arg0: i32) -> (i32, i32) {
    %c0_i32 = arith.constant 0 : i32
    %c0_i32_0 = arith.constant 0 : i32
    %c0_i32_1 = arith.constant 0 : i32
    return %c0_i32, %c0_i32_0 : i32, i32
  }
}

module attributes {stable_mosaic.version = 14 : i64} {
  func.func @_tc_fix_body(%arg0: i32, %arg1: memref<1x1xf32, #tpu.memory_space<smem>>, %arg2: memref<1xf32, #tpu.memory_space<smem>>, %arg3: memref<3x160x128xf32, #tpu.memory_space<vmem>>, %arg4: memref<160x512xf32, #tpu.memory_space<vmem>>, %arg5: memref<64x512xf32, #tpu.memory_space<vmem>>, %arg6: memref<1x512xf32, #tpu.memory_space<vmem>>, %arg7: memref<512x1000xf32, #tpu.memory_space<vmem>>, %arg8: memref<1x1000xf32, #tpu.memory_space<vmem>>, %arg9: memref<64x1000xf32, #tpu.memory_space<vmem>>) attributes {dimension_semantics = [#tpu.dimension_semantics<arbitrary>], iteration_bounds = array<i64: 1>, scalar_prefetch = 0 : i64, scratch_operands = 0 : i64, tpu.core_type = #tpu.core_type<tc>, window_params = [{transform_indices = @transform_0, window_bounds = array<i64: 1, 1>}, {transform_indices = @transform_1, window_bounds = array<i64: 1>}, {pipeline_mode = #tpu.pipeline_mode<synchronous>, transform_indices = @transform_2, window_bounds = array<i64: 3, 160, 128>}, {transform_indices = @transform_3, window_bounds = array<i64: 160, 512>}, {pipeline_mode = #tpu.pipeline_mode<synchronous>, transform_indices = @transform_4, window_bounds = array<i64: 64, 512>}, {pipeline_mode = #tpu.pipeline_mode<synchronous>, transform_indices = @transform_5, window_bounds = array<i64: 1, 512>}, {pipeline_mode = #tpu.pipeline_mode<synchronous>, transform_indices = @transform_6, window_bounds = array<i64: 512, 1000>}, {pipeline_mode = #tpu.pipeline_mode<synchronous>, transform_indices = @transform_7, window_bounds = array<i64: 1, 1000>}, {pipeline_mode = #tpu.pipeline_mode<synchronous>, transform_indices = @transform_8, window_bounds = array<i64: 64, 1000>}]} {
    %get3A = arith.constant 0 : index
    %get3A_0 = arith.constant 0 : index
    %get3A_1 = memref.load %arg1[%get3A, %get3A_0] : memref<1x1xf32, #tpu.memory_space<smem>>
    %get3A_2 = arith.constant 0 : index
    %get3A_3 = memref.load %arg2[%get3A_2] : memref<1xf32, #tpu.memory_space<smem>>
    %get3A_4 = arith.constant 0 : index
    %get3A_5 = arith.constant 0 : index
    %get3A_6 = arith.constant 0 : index
    %get3A_7 = vector.load %arg3[%get3A_4, %get3A_5, %get3A_6] : memref<3x160x128xf32, #tpu.memory_space<vmem>>, vector<1x160x128xf32>
    %get3A_8 = vector.shape_cast %get3A_7 : vector<1x160x128xf32> to vector<160x128xf32>
    %get3A_9 = arith.constant 1 : index
    %get3A_10 = arith.constant 0 : index
    %get3A_11 = arith.constant 0 : index
    %get3A_12 = vector.load %arg3[%get3A_9, %get3A_10, %get3A_11] : memref<3x160x128xf32, #tpu.memory_space<vmem>>, vector<1x160x128xf32>
    %get3A_13 = vector.shape_cast %get3A_12 : vector<1x160x128xf32> to vector<160x128xf32>
    %get3A_14 = arith.constant 2 : index
    %get3A_15 = arith.constant 0 : index
    %get3A_16 = arith.constant 0 : index
    %get3A_17 = vector.load %arg3[%get3A_14, %get3A_15, %get3A_16] : memref<3x160x128xf32, #tpu.memory_space<vmem>>, vector<1x160x128xf32>
    %get3A_18 = vector.shape_cast %get3A_17 : vector<1x160x128xf32> to vector<160x128xf32>
    %mul3A = vector.broadcast %get3A_1 : f32 to vector<160x128xf32>
    %mul3A_19 = arith.mulf %mul3A, %get3A_18 : vector<160x128xf32>
    %add3A = vector.broadcast %get3A_3 : f32 to vector<160x128xf32>
    %add3A_20 = arith.addf %mul3A_19, %add3A : vector<160x128xf32>
    %max3A = arith.constant 0.000000e+00 : f32
    %max3A_21 = vector.broadcast %max3A : f32 to vector<160x128xf32>
    %max3A_22 = arith.maximumf %add3A_20, %max3A_21 : vector<160x128xf32>
    %mul3A_23 = arith.mulf %get3A_18, %get3A_8 : vector<160x128xf32>
    %add3A_24 = arith.addf %mul3A_23, %get3A_13 : vector<160x128xf32>
    %mul3A_25 = vector.broadcast %get3A_1 : f32 to vector<160x128xf32>
    %mul3A_26 = arith.mulf %mul3A_25, %add3A_24 : vector<160x128xf32>
    %add3A_27 = vector.broadcast %get3A_3 : f32 to vector<160x128xf32>
    %add3A_28 = arith.addf %mul3A_26, %add3A_27 : vector<160x128xf32>
    %max3A_29 = arith.constant 0.000000e+00 : f32
    %max3A_30 = vector.broadcast %max3A_29 : f32 to vector<160x128xf32>
    %max3A_31 = arith.maximumf %add3A_28, %max3A_30 : vector<160x128xf32>
    %sub3A = arith.subf %max3A_31, %max3A_22 : vector<160x128xf32>
    %get3A_32 = arith.constant 0 : index
    %get3A_33 = arith.constant 0 : index
    %get3A_34 = vector.load %arg4[%get3A_32, %get3A_33] : memref<160x512xf32, #tpu.memory_space<vmem>>, vector<160x512xf32>
    %dot_general3A = arith.constant dense<0.000000e+00> : vector<128x512xf32>
    %dot_general3A_35 = tpu.matmul %sub3A, %get3A_34, %dot_general3A {dimension_numbers = #tpu.dot_dimension_numbers<[0], [0], [1], [1], [0, 1, 1, 1], [], []>, transpose_lhs_hint = false} : vector<160x128xf32>, vector<160x512xf32>, vector<128x512xf32> -> vector<128x512xf32>
    %slice3A = vector.extract_strided_slice %dot_general3A_35 {offsets = [0, 0], sizes = [64, 512], strides = [1, 1]} : vector<128x512xf32> to vector<64x512xf32>
    %get3A_36 = arith.constant 0 : index
    %get3A_37 = arith.constant 0 : index
    %get3A_38 = vector.load %arg5[%get3A_36, %get3A_37] : memref<64x512xf32, #tpu.memory_space<vmem>>, vector<64x512xf32>
    %add3A_39 = arith.addf %get3A_38, %slice3A : vector<64x512xf32>
    %get3A_40 = arith.constant 0 : index
    %get3A_41 = arith.constant 0 : index
    %get3A_42 = vector.load %arg6[%get3A_40, %get3A_41] : memref<1x512xf32, #tpu.memory_space<vmem>>, vector<1x512xf32>
    %add3A_43 = vector.broadcast %get3A_42 : vector<1x512xf32> to vector<64x512xf32>
    %add3A_44 = arith.addf %add3A_39, %add3A_43 : vector<64x512xf32>
    %max3A_45 = arith.constant 0.000000e+00 : f32
    %max3A_46 = vector.broadcast %max3A_45 : f32 to vector<64x512xf32>
    %max3A_47 = arith.maximumf %add3A_44, %max3A_46 : vector<64x512xf32>
    %get3A_48 = arith.constant 0 : index
    %get3A_49 = arith.constant 0 : index
    %get3A_50 = vector.load %arg7[%get3A_48, %get3A_49] : memref<512x1000xf32, #tpu.memory_space<vmem>>, vector<512x1000xf32>
    %dot_general3A_51 = arith.constant dense<0.000000e+00> : vector<64x1000xf32>
    %dot_general3A_52 = tpu.matmul %max3A_47, %get3A_50, %dot_general3A_51 {dimension_numbers = #tpu.dot_dimension_numbers<[1], [0], [0], [1], [0, 0, 1, 1], [], []>, transpose_lhs_hint = false} : vector<64x512xf32>, vector<512x1000xf32>, vector<64x1000xf32> -> vector<64x1000xf32>
    %get3A_53 = arith.constant 0 : index
    %get3A_54 = arith.constant 0 : index
    %get3A_55 = vector.load %arg8[%get3A_53, %get3A_54] : memref<1x1000xf32, #tpu.memory_space<vmem>>, vector<1x1000xf32>
    %add3A_56 = vector.broadcast %get3A_55 : vector<1x1000xf32> to vector<64x1000xf32>
    %add3A_57 = arith.addf %dot_general3A_52, %add3A_56 : vector<64x1000xf32>
    %swap3A = arith.constant 0 : index
    %swap3A_58 = arith.constant 0 : index
    %swap3A_59 = vector.load %arg9[%swap3A, %swap3A_58] : memref<64x1000xf32, #tpu.memory_space<vmem>>, vector<64x1000xf32>
    tpu.vector_store %arg9[%swap3A, %swap3A_58], %add3A_57 {strides = array<i32>} : memref<64x1000xf32, #tpu.memory_space<vmem>>, vector<64x1000xf32>,
    return
  }
  func.func @transform_0(%arg0: i32) -> (i32, i32) {
    %c0_i32 = arith.constant 0 : i32
    %c0_i32_0 = arith.constant 0 : i32
    %c0_i32_1 = arith.constant 0 : i32
    return %c0_i32, %c0_i32_0 : i32, i32
  }
  func.func @transform_1(%arg0: i32) -> i32 {
    %c0_i32 = arith.constant 0 : i32
    %c0_i32_0 = arith.constant 0 : i32
    return %c0_i32 : i32
  }
  func.func @transform_2(%arg0: i32) -> (i32, i32, i32) {
    %c0_i32 = arith.constant 0 : i32
    %c0_i32_0 = arith.constant 0 : i32
    %c0_i32_1 = arith.constant 0 : i32
    %c0_i32_2 = arith.constant 0 : i32
    return %c0_i32, %c0_i32_0, %c0_i32_1 : i32, i32, i32
  }
  func.func @transform_3(%arg0: i32) -> (i32, i32) {
    %c0_i32 = arith.constant 0 : i32
    %c0_i32_0 = arith.constant 0 : i32
    %c0_i32_1 = arith.constant 0 : i32
    return %c0_i32, %c0_i32_0 : i32, i32
  }
  func.func @transform_4(%arg0: i32) -> (i32, i32) {
    %c0_i32 = arith.constant 0 : i32
    %c0_i32_0 = arith.constant 0 : i32
    %c0_i32_1 = arith.constant 0 : i32
    return %c0_i32, %c0_i32_0 : i32, i32
  }
  func.func @transform_5(%arg0: i32) -> (i32, i32) {
    %c0_i32 = arith.constant 0 : i32
    %c0_i32_0 = arith.constant 0 : i32
    %c0_i32_1 = arith.constant 0 : i32
    return %c0_i32, %c0_i32_0 : i32, i32
  }
  func.func @transform_6(%arg0: i32) -> (i32, i32) {
    %c0_i32 = arith.constant 0 : i32
    %c0_i32_0 = arith.constant 0 : i32
    %c0_i32_1 = arith.constant 0 : i32
    return %c0_i32, %c0_i32_0 : i32, i32
  }
  func.func @transform_7(%arg0: i32) -> (i32, i32) {
    %c0_i32 = arith.constant 0 : i32
    %c0_i32_0 = arith.constant 0 : i32
    %c0_i32_1 = arith.constant 0 : i32
    return %c0_i32, %c0_i32_0 : i32, i32
  }
  func.func @transform_8(%arg0: i32) -> (i32, i32) {
    %c0_i32 = arith.constant 0 : i32
    %c0_i32_0 = arith.constant 0 : i32
    %c0_i32_1 = arith.constant 0 : i32
    return %c0_i32, %c0_i32_0 : i32, i32
  }
}

</mosaic_0001>

<sc_bundles>
// kernel: kernel.5.cloned.1.call-start
scs
__scs_entry_jumppad:
0x0: {  	(pc) =	sbr.rel $0x88, $3  }
0x1: {  	(tag) =	ssettag $0x0;
	lr =	simm.s32 $0x1  }
0x2: {  	[smem:$0x3F99] =	sst lr;
	_ =	strace $0xD0000000  }
0x3: {  	_ = 	snop  }
0x4: {  	_ = 	snop  }
0x5: {  	_ = 	snop  }
0x6: {  	_ = 	snop  }
0x7: {  	_ = 	snop  }
__scs_overlays_trampoline_lowered:
0x8: {  	[smem:$0x3FA8] =	sst s0  }
0x9: {  	[smem:$0x3FA9] =	sst s1  }
0xa: {  	[smem:$0x3FAA] =	sst s2  }
0xb: {  	[smem:$0x3FAB] =	sst s3  }
0xc: {  	[smem:$0x3FAC] =	sst s4  }
0xd: {  	[smem:$0x3FAD] =	sst s5  }
0xe: {  	[smem:$0x3FAE] =	sst s6  }
0xf: {  	[smem:$0x3FAF] =	sst s7  }
0x10: {  	[smem:$0x3FB0] =	sst s8  }
0x11: {  	[smem:$0x3FB1] =	sst s9;
	s0 =	simm.s32 @!p0 $0x0  }
0x12: {  	s1 =	sld [smem:$0x3F97];
	s0 =	simm.s32 @p0 $0x1  }
0x13: {  	[smem:$0x3FB2] =	sst s0;
	s0 =	simm.s32 @!p1 $0x0  }
0x14: {  	s2 =	sld [smem:$0x3F96];
	s0 =	simm.s32 @p1 $0x1  }
0x15: {  	[smem:$0x3FB3] =	sst s0;
	s0 =	simm.s32 @!p2 $0x0  }
0x16: {  	s3 =	sld [smem:$0x3FDB];
	s0 =	simm.s32 @p2 $0x1  }
0x17: {  	s4 =	simm.s32 $0x1BF5;
	[smem:$0x3FB5] =	sst s0  }
0x18: {  	s0 =	sld [smem:$0x3F98];
	_ =	swait.ge [sflag:s4], $0x0  }
0x19: {  	s7 =	sld [smem:$0x3F99]  }
0x1a: {  	s8 =	sadd.s32 $0xFFFFE003, lr  }
0x1b: {  	s9 =	sadd.s32 $0xFFFFFEF7, lr;
	s5 =	simm.s32 $0xFFFFFFFF;
	p2 =	slt.u32 s8, $0xFFFFF086  }
0x1c: {  	p1 =	slt.u32 s9, $0xF7A;
	s5 =	simm.s32 @!p2 $0x0  }
0x1d: {  	s5 =	simm.s32 @p1 $0x1;
	p0 =	seq.s32 s7, s2  }
0x1e: {  	s7 =	smul.u32 @!p0 $0xF7A, s2;
	p2 =	seq.s32 @!p0 s5, $0x0  }
0x1f: {  	s9 =	smul.u32 $0xF7A, s1;
	s8 =	simm.s32 @!p0 $0x1BF5;
	p2 =	por !p2, p0  }
0x20: {  	[sflag:s8] =	ssyncset.s32 @!p0 $0xFFFFF086;
	s6 =	sadd.s32 @!p0 s3, s7;
	s7 =	simm.s32 @!p0 $0x108  }
0x21: {  	s3 =	sadd.s32 s3, s9;
	s6 =	sadd.s32 @!p0 $0x88, s6;
	s7 =	simm.s32 @p2 $0x1082  }
0x22: {  	[simem:s7], [sflag:s8] =	dma.local @!p0 [hbm:s6], $0xF7A  }
0x23: {  	s9 =	sor.u32 $0xD0000000, s2;
	s6 =	simm.s32 $0x108;
	_ =	swait.ge @!p0 [sflag:s8], $0x0  }
0x24: {  	s3 =	sadd.s32 $0x88, s3;
	s6 =	simm.s32 @!p1 $0x1082;
	[sflag:s4] =	ssyncset.s32 $0xFFFFF086  }
0x25: {  	[simem:s6], [sflag:s4] =	dma.local [hbm:s3], $0xF7A  }
0x26: {  	[smem:$0x3F99] =	sst s1;
	(tag) =	ssettag s2;
	_ =	strace s9  }
0x27: {  	s1 =	sld [smem:$0x3FA9]  }
0x28: {  	s2 =	sld [smem:$0x3FAA]  }
0x29: {  	s4 =	sld [smem:$0x3FAC]  }
0x2a: {  	p0 =	seq.s32 s5, $0x0;
	s5 =	sld [smem:$0x3FAD]  }
0x2b: {  	s6 =	sld [smem:$0x3FAE]  }
0x2c: {  	s7 =	sld [smem:$0x3FAF]  }
0x2d: {  	s3 =	simm.s32 $0x108;
	s8 =	sld [smem:$0x3FB0]  }
0x2e: {  	s3 =	simm.s32 @!p0 $0x1082;
	s9 =	sld [smem:$0x3FB1]  }
0x2f: {  	lr =	sadd.s32 s0, s3;
	s0 =	sld [smem:$0x3FA8]  }
0x30: {  	s3 =	sld [smem:$0x3FAB]  }
0x31: {  	[smem:$0x3FB4] =	sst s10  }
0x32: {  	s10 =	sld [smem:$0x3FB2];
	_ =	sdelay $0x3  }
0x33: {  	p0 =	seq.s32 s10, $0x1;
	s10 =	sld [smem:$0x3FB4];
	_ =	sdelay $0x3  }
0x34: {  	[smem:$0x3FB4] =	sst s10  }
0x35: {  	s10 =	sld [smem:$0x3FB3];
	_ =	sdelay $0x3  }
0x36: {  	p1 =	seq.s32 s10, $0x1;
	s10 =	sld [smem:$0x3FB4];
	_ =	sdelay $0x3  }
0x37: {  	[smem:$0x3FB4] =	sst s10  }
0x38: {  	s10 =	sld [smem:$0x3FB5]  }
0x39: {  	_ = 	snop;
	(pc) =	sbr.ind lr, $3  }
0x3a: {  	_ = 	snop  }
0x3b: {  	_ = 	snop  }
0x3c: {  	p2 =	seq.s32 s10, $0x1;
	s10 =	sld [smem:$0x3FB4]  }
0x3d: {  	_ =	shalt  }
0x3e: {  	_ =	shalt  }
0x3f: {  	_ =	shalt  }
0x40: {  	_ =	shalt  }
0x41: {  	_ =	shalt  }
0x42: {  	_ =	shalt  }
0x43: {  	_ =	shalt  }
0x44: {  	_ =	shalt  }
0x45: {  	_ =	shalt  }
0x46: {  	_ =	shalt  }
0x47: {  	_ =	shalt  }
0x48: {  	_ =	shalt  }
0x49: {  	_ =	shalt  }
0x4a: {  	_ =	shalt  }
0x4b: {  	_ =	shalt  }
0x4c: {  	_ =	shalt  }
0x4d: {  	_ =	shalt  }
0x4e: {  	_ =	shalt  }
0x4f: {  	_ =	shalt  }
0x50: {  	_ =	shalt  }
0x51: {  	_ =	shalt  }
0x52: {  	_ =	shalt  }
0x53: {  	_ =	shalt  }
0x54: {  	_ =	shalt  }
0x55: {  	_ =	shalt  }
0x56: {  	_ =	shalt  }
0x57: {  	_ =	shalt  }
0x58: {  	_ =	shalt  }
0x59: {  	_ =	shalt  }
0x5a: {  	_ =	shalt  }
0x5b: {  	_ =	shalt  }
0x5c: {  	_ =	shalt  }
0x5d: {  	_ =	shalt  }
0x5e: {  	_ =	shalt  }
0x5f: {  	_ =	shalt  }
0x60: {  	_ =	shalt  }
0x61: {  	_ =	shalt  }
0x62: {  	_ =	shalt  }
0x63: {  	_ =	shalt  }
0x64: {  	_ =	shalt  }
0x65: {  	_ =	shalt  }
0x66: {  	_ =	shalt  }
0x67: {  	_ =	shalt  }
0x68: {  	_ =	shalt  }
0x69: {  	_ =	shalt  }
0x6a: {  	_ =	shalt  }
0x6b: {  	_ =	shalt  }
0x6c: {  	_ =	shalt  }
0x6d: {  	_ =	shalt  }
0x6e: {  	_ =	shalt  }
0x6f: {  	_ =	shalt  }
0x70: {  	_ =	shalt  }
0x71: {  	_ =	shalt  }
0x72: {  	_ =	shalt  }
0x73: {  	_ =	shalt  }
0x74: {  	_ =	shalt  }
0x75: {  	_ =	shalt  }
0x76: {  	_ =	shalt  }
0x77: {  	_ =	shalt  }
0x78: {  	_ =	shalt  }
0x79: {  	_ =	shalt  }
0x7a: {  	_ =	shalt  }
0x7b: {  	_ =	shalt  }
0x7c: {  	_ =	shalt  }
0x7d: {  	_ =	shalt  }
0x7e: {  	_ =	shalt  }
0x7f: {  	_ =	shalt  }
0x80: {  	_ =	shalt  }
0x81: {  	_ =	shalt  }
0x82: {  	_ =	shalt  }
0x83: {  	_ =	shalt  }
0x84: {  	_ =	shalt  }
0x85: {  	_ =	shalt  }
0x86: {  	_ =	shalt  }
0x87: {  	_ =	shalt  }
.Lfunc_end0:
.L_simem_size_0:
called_computation_lowered:
.L_overlay_start_0:
0x88: {  	s2 =	sld [smem:$0x3FD9]  }
0x89: {  	s3 =	sld [smem:$0x3FFE];
	_ =	sdelay $0x1  }
0x8a: {  	s1 =	srdreg.scid  }
0x8b: {  	s0 =	sand.u32 $0x1, s1  }
0x8c: {  	s18 =	sshll.u32 s0, $0xA;
	s2 =	sadd.s32 s3, s2  }
0x8d: {  	s2 =	sadd.s32 s2, s18  }
0x8e: {  	[smem:$0x3FC0] =	sst s2  }
0x8f: {  	_ = 	snop  }
0x90: {  	s2 =	sld [smem:$0x3FC9]  }
0x91: {  	s19 =	sld [smem:$0x3FC8]  }
0x92: {  	s4 =	sld [smem:$0x3FD0];
	(tm) =	ssettm $0x1  }
0x93: {  	s5 =	sld [smem:$0x3FFB];
	_ =	sdelay $0x3  }
0x94: {  	_ =	strace s5  }
0x95: {  	s5 =	sld [smem:$0x3FFC];
	_ =	sdelay $0x3  }
0x96: {  	_ =	strace s5  }
0x97: {  	s5 =	sld [smem:$0x3FFD];
	_ =	sdelay $0x3  }
0x98: {  	_ =	strace s5  }
0x99: {  	_ =	strace $0x8FFFFFFF  }
0x9a: {  	s20 =	sld [smem:$0x3FDB];
	_ =	sdelay $0x1  }
0x9b: {  	s6 =	simm.s32 $_scs_section_size  }
0x9c: {  	s7 =	simm.s32 $_size__tile_overlayer_lowered;
	s8 =	simm.s32 $_tile_overlayer_lowered  }
0x9d: {  	s23 =	simm.s32 $0x1BFF;
	s22 =	sshll.u32 s8, $0x1;
	s5 =	sadd.s32 s6, s20  }
0x9e: {  	s9 =	simm.s32 $0x0;
	s21 =	sshll.u32 s7, $0x1;
	s7 =	sadd.s32 s22, s5  }
0x9f: {  	[timem:s9], [sflag:s23] =	dma.local [hbm:s7], s21  }
0xa0: {  	_ =	swait.ge [sflag:s23], s21  }
0xa1: {  	s6 =	ssub.s32 $0x0, s21;
	[sflag:s23] =	ssyncset.done $0x0  }
0xa2: {  	[sflag:s23] =	ssyncadd.s32 s6;
	_ =	sdelay $0x1  }
0xa3: {  	s24 =	simm.s32 $0x1B8B  }
0xa4: {  	_ =	swait.ge [sflag:s24], $0x1  }
0xa5: {  	[sflag:s24] =	ssyncset.done $0x0  }
0xa6: {  	s25 =	simm.s32 $0x1B8E;
	[sflag:s24] =	ssyncadd.s32 $0xFFFFFFFF  }
0xa7: {  	s26 =	simm.s32 $execute0_lowered;
	[smem:$0x3FD2] =	sst s25  }
0xa8: {  	s6 =	sshll.u32 s26, $0x1;
	_ =	strace $0x80000046;
	[dreg:$0x1] =	wrdreg $0xFFFFFFFF  }
0xa9: {  	s28 =	simm.s32 $_size_execute0_lowered;
	s5 =	sadd.s32 s5, s6;
	[dreg:$0x0] =	wrdreg $0x0  }
0xaa: {  	s6 =	sshll.u32 s28, $0x1;
	[dreg:$0x2] =	wrdreg s5  }
0xab: {  	[dreg:$0x3] =	wrdreg s6  }
0xac: {  	[dreg:$0x4] =	wrdreg $0xC0  }
0xad: {  	_ =	task [dreg:s9], $0x5FFFF  }
0xae: {  	[dreg:$0x1] =	wrdreg $0xFFFFFFFF  }
0xaf: {  	[dreg:$0x0] =	wrdreg $0x60  }
0xb0: {  	[dreg:$0x2] =	wrdreg s19  }
0xb1: {  	[dreg:$0x3] =	wrdreg s2  }
0xb2: {  	[dreg:$0x4] =	wrdreg s4  }
0xb3: {  	[dreg:$0x5] =	wrdreg $0x145800  }
0xb4: {  	[dreg:$0x6] =	wrdreg $0x16D800  }
0xb5: {  	[dreg:$0x7] =	wrdreg $0x9  }
0xb6: {  	_ =	task.clear_ibuf [dreg:s9], $0x8FFFF;
	_ =	strace $0x90000046  }
0xb7: {  	s29 =	simm.s32 $0x9;
	_ =	strace $0x80000048  }
0xb8: {  	_ =	swait.ge [sflag:s29], $0x1  }
0xb9: {  	[sflag:s29] =	ssyncadd.s32 $0xFFFFFFFF  }
0xba: {  	_ =	strace $0x90000048  }
0xbb: {  	_ =	sfence  }
0xbc: {  	s30 =	sld [smem:$0x0];
	_ =	sdelay $0x2  }
0xbd: {  	s31 =	sshll.u32 s1, $0xD;
	s1 =	sshrl.u32 s1, $0x2  }
0xbe: {  	s3 =	sand.u32 $0x4000, s31;
	s1 =	sadd.s32 s1, s30  }
0xbf: {  	s0 =	sor.u32 s3, s0;
	s1 =	sshll.u32 s1, $0x11  }
0xc0: {  	s0 =	sor.u32 s1, s0  }
0xc1: {  	s0 =	sadd.s32 $0x8F2B, s0  }
0xc2: {  	[sflag:s0] =	ssyncadd.remote.s32 $0x1  }
0xc3: {  	_ =	sfence.sel $0xFFFF  }
0xc4: {  	[dreg:$0x0] =	wrdreg $0xFFFFFFFF;
	(pc) =	sbr.abs _section_cstart, $3  }
0xc5: {  	[dreg:$0x1] =	wrdreg $0xFFFFFFFF  }
0xc6: {  	_ =	task.clear_ibuf [dreg:s9], $0x2FFFF;
	_ =	strace $0x9FFFFFFF  }
0xc7: {  	(tm) =	ssettm $0x7FFFFFFF  }
tec
execute0_lowered:
.L_overlay_start_1:
0x0: {  	(tag) =	ssettag $0x1  }
0x1: {  	v0 =	vimm.s32 $0xB80;
	vm14 =	vcmask $0x300;
	vm13 =	vcmask $0x704  }
0x2: {  	vm12 =	vcmask $0xB08;
	vm11 =	vcmask $0xF0C;
	vm10 =	vcmask $0x1310  }
0x3: {  	vm9 =	vcmask $0x1714;
	vm8 =	vcmask $0x1B18;
	vm7 =	vcmask $0x1F1C  }
0x4: {  	vm6 =	vcmask $0x2320;
	vm5 =	vcmask $0x2724;
	vm4 =	vcmask $0x2B28  }
0x5: {  	vm3 =	vcmask $0x2F2C;
	vm0 =	vcmask $0x3330;
	vm2 =	vcmask $0x3734  }
0x6: {  	s2 =	rddreg [dreg:$0x0];
	vm1 =	vcmask $0x3B38;
	v1 =	vimm.f32 $1.000000000e+00;
	v3 =	vimm.s32 $0x1B80  }
0x7: {  	s0 =	rddreg [dreg:$0x2];
	v4 =	vimm.s32 $0x2B80;
	v5 =	vimm.s32 $0x3B80;
	v0 =	vsel vm14, $0x0, v0  }
0x8: {  	s3 =	rddreg [dreg:$0x3];
	v3 =	vsel vm14, $0x1000, v3;
	v4 =	vsel vm14, $0x2000, v4;
	v5 =	vsel vm14, $0x3000, v5  }
0x9: {  	s9 =	rddreg [dreg:$0x4];
	s10 =	stileid.u32;
	v0 =	vsel vm13, $0x80, v0;
	v3 =	vsel vm13, $0x1080, v3;
	v4 =	vsel vm13, $0x2080, v4  }
0xa: {  	s11 =	simm.s32 $0x0;
	s1 =	srdreg.scid;
	s4 =	smul.u32 $0x2710, s10;
	v5 =	vsel vm13, $0x3080, v5;
	v0 =	vsel vm12, $0x100, v0;
	v3 =	vsel vm12, $0x1100, v3  }
0xb: {  	s12 =	simm.s32 $0x1;
	s17 =	simm.s32 $0x4F00;
	s22 =	smul.u32 $0x5000, s10;
	v4 =	vsel vm12, $0x2100, v4;
	v5 =	vsel vm12, $0x3100, v5;
	v0 =	vsel vm11, $0x180, v0  }
0xc: {  	[smem:$0x7FF] =	sst s11;
	s1 =	sand.u32 $0x1, s1;
	s23 =	smul.u32 $0x500, s10;
	v3 =	vsel vm11, $0x1180, v3;
	v4 =	vsel vm11, $0x2180, v4;
	v5 =	vsel vm11, $0x3180, v5  }
0xd: {  	s8 =	sshrl.u32 s10, $0x3;
	s20 =	sshll.u32 s10, $0x7;
	s25 =	smul.u32 $0xA00, s10;
	v0 =	vsel vm10, $0x200, v0;
	v3 =	vsel vm10, $0x1200, v3;
	v4 =	vsel vm10, $0x2200, v4  }
0xe: {  	s26 =	smul.u32 $0xA, s10;
	s30 =	sand.u32 $0x7, s10;
	_ =	strace $0x80000047;
	v5 =	vsel vm10, $0x3200, v5;
	v0 =	vsel vm9, $0x280, v0;
	v3 =	vsel vm9, $0x1280, v3  }
0xf: {  	s5 =	ssub.s32 $0x2, s1;
	s8 =	smul.u32 $0x50000, s8;
	s7 =	sshrl.u32 s4, $0x2;
	v4 =	vsel vm9, $0x2280, v4;
	v5 =	vsel vm9, $0x3280, v5;
	v0 =	vsel vm8, $0x300, v0  }
0x10: {  	s4 =	sand.u32 $0x70, s4;
	[dreg:$0x15] =	wrdreg s26;
	s7 =	sand.u32 $0xFFE0, s7;
	v3 =	vsel vm8, $0x1300, v3;
	v4 =	vsel vm8, $0x2300, v4;
	v5 =	vsel vm8, $0x3300, v5  }
0x11: {  	s19 =	sadd.s32 $0x40, s4;
	s21 =	sshrl.u32 s8, $0x2;
	s2 =	sadd.s32 s2, s7;
	v0 =	vsel vm7, $0x380, v0;
	v3 =	vsel vm7, $0x1380, v3;
	v4 =	vsel vm7, $0x2380, v4  }
0x12: {  	s4 =	sadd.s32 s21, s3;
	[dreg:$0x11] =	wrdreg s2;
	s2 =	sand.u32 $0x380, s20;
	v5 =	vsel vm7, $0x3380, v5;
	v0 =	vsel vm6, $0x800, v0;
	v3 =	vsel vm6, $0x1800, v3  }
0x13: {  	s24 =	sshrl.u32 s22, $0x2;
	[dreg:$0x12] =	wrdreg s19;
	s2 =	sadd.s32 s2, s4;
	v4 =	vsel vm6, $0x2800, v4;
	v5 =	vsel vm6, $0x3800, v5;
	v0 =	vsel vm5, $0x880, v0  }
0x14: {  	s29 =	sshrl.u32 s25, $0x2;
	[dreg:$0x13] =	wrdreg s2;
	s2 =	sadd.s32 s24, s3;
	v3 =	vsel vm5, $0x1880, v3;
	v4 =	vsel vm5, $0x2880, v4;
	v5 =	vsel vm5, $0x3880, v5  }
0x15: {  	s28 =	sshrl.u32 s23, $0x3;
	s3 =	sadd.s32 s29, s9;
	[dreg:$0x14] =	wrdreg s2;
	v0 =	vsel vm4, $0x900, v0;
	v3 =	vsel vm4, $0x1900, v3;
	v4 =	vsel vm4, $0x2900, v4  }
0x16: {  	s6 =	sshrl.u32 s5, $0x1;
	s2 =	sadd.s32 s0, s28;
	[dreg:$0x17] =	wrdreg s3;
	v5 =	vsel vm4, $0x3900, v5;
	v0 =	vsel vm3, $0x980, v0;
	v3 =	vsel vm3, $0x1980, v3  }
.Ltmp0:
0x17: {  	s31 =	sadd.s32 $0xA00, s2;
	[dreg:$0x16] =	wrdreg s2;
	v4 =	vsel vm3, $0x2980, v4;
	v5 =	vsel vm3, $0x3980, v5;
	v0 =	vsel vm0, $0xA00, v0;
	(pc) =	sbr.rel .LBB2_1-.Ltmp0, $4  }
0x18: {  	s0 =	sshll.u32 s30, $0x5;
	s2 =	sadd.s32 $0x1400, s2;
	[dreg:$0x18] =	wrdreg s31;
	v3 =	vsel vm0, $0x1A00, v3;
	v4 =	vsel vm0, $0x2A00, v4;
	v5 =	vsel vm0, $0x3A00, v5  }
0x19: {  	s5 =	ssub.s32 s5, s6;
	s0 =	sadd.s32 $0x80, s0;
	[dreg:$0x19] =	wrdreg s2;
	v2 =	vsel vm2, $0xA80, v0;
	v0 =	vimm.f32 $0.0e+00;
	v3 =	vsel vm2, $0x1A80, v3  }
0x1a: {  	s13 =	simm.s32 $0x9180;
	s2 =	smax.u32 s5, $0x1;
	[dreg:$0x1b] =	wrdreg s0;
	v4 =	vsel vm2, $0x2A80, v4;
	v5 =	vsel vm2, $0x3A80, v5;
	v2 =	vsel vm1, $0xB00, v2  }
0x1b: {  	p0 =	sne.s32 s1, $0x0;
	s0 =	simm.s32 $0x0;
	[dreg:$0x1a] =	wrdreg s2;
	v3 =	vsel vm1, $0x1B00, v3;
	v4 =	vsel vm1, $0x2B00, v4;
	v5 =	vsel vm1, $0x3B00, v5  }
.LBB2_15:
0x1c: {  	[bflag:$0x0] =	sbarrier.arrive $0xFFFF  }
0x1d: {  	[bflag:$0x0] =	sbarrier.arrive $0xFFFF  }
0x1e: {  	[bflag:$0x0] =	sbarrier.arrive $0xFFFF  }
.LBB2_13:
0x1f: {  	s0 =	sadd.s32 $0x1, s0  }
0x20: {  	p1 =	sne.s32 s0, s2  }
.Ltmp1:
0x21: {  	_ = 	snop;
	(pc) =	sbr.rel @!p1 .LBB2_14-.Ltmp1, $1  }
0x22: {  	_ =	sdelay $0x3  }
.LBB2_1:
.Ltmp2:
0x23: {  	(pc) =	sbr.rel @p0 .LBB2_15-.Ltmp2, $1  }
0x24: {  	_ =	sdelay $0x3  }
0x25: {  	[dreg:$0x1c] =	wrdreg s0  }
0x26: {  	s30 =	rddreg [dreg:$0x11]  }
0x27: {  	[tilespmem:s11], [sflag:$0x1] =	stream.linear.gather [hbm4b:s30+s11], $0x4F00, $0x38;
	[tilespmem:$0x17000] =	vst v63  }
0x28: {  	_ =	swait.ge [sflag:s12], $0x4F00  }
0x29: {  	[sflag:s12] =	ssyncset.done $0x0  }
0x2a: {  	[sflag:s12] =	ssyncadd.s32 $0xFFFFB100  }
0x2b: {  	s1 =	simm.s32 $0x800;
	s2 =	simm.s32 $0x17800;
	s31 =	rddreg [dreg:$0x1]  }
0x2c: {  	[tilespmem:s17], [sflag:$0x1] =	stream.strided.gather [hbm4b:s31+s1], $0x4000, s2, s1, $0x38;
	[tilespmem:$0x17000] =	vst v63  }
0x2d: {  	_ =	swait.ge [sflag:s12], $0x4000  }
0x2e: {  	[sflag:s12] =	ssyncset.done $0x0  }
0x2f: {  	s1 =	simm.s32 $0x91C0;
	[sflag:s12] =	ssyncadd.s32 $0xFFFFC000  }
0x30: {  	[tilespmem:s1+$0x30] =	vst v0  }
0x31: {  	[tilespmem:s1+$0xFFFFFFF0] =	vst v0  }
0x32: {  	[tilespmem:s1+$0xFFFFFFC0] =	vst v0  }
0x33: {  	[tilespmem:s1+$0xFFFFFFE0] =	vst v0  }
0x34: {  	[tilespmem:s1+$0x10] =	vst v0  }
0x35: {  	[tilespmem:s1+$0x20] =	vst v0  }
0x36: {  	[tilespmem:s1+$0x0] =	vst v0  }
0x37: {  	s0 =	simm.s32 $0xB9C0;
	[tilespmem:s1+$0xFFFFFFD0] =	vst v0  }
0x38: {  	[tilespmem:s0+$0xFFFFFFC0] =	vst v0  }
0x39: {  	[tilespmem:s0+$0x30] =	vst v0  }
0x3a: {  	[tilespmem:s0+$0x20] =	vst v0  }
0x3b: {  	[tilespmem:s0+$0x10] =	vst v0  }
0x3c: {  	[tilespmem:s0+$0xFFFFFFE0] =	vst v0  }
0x3d: {  	[tilespmem:s0+$0x0] =	vst v0  }
0x3e: {  	s2 =	simm.s32 $0x0;
	[tilespmem:s0+$0xFFFFFFF0] =	vst v0  }
.LBB2_3:
0x3f: {  	s2 =	sadd.s32 $0x8, s2;
	[tilespmem:s0+$0xFFFFFFD0] =	vst v0;
	s1 =	sadd.s32 $0x80, s1;
	s0 =	sadd.s32 $0x80, s0  }
0x40: {  	[tilespmem:s1+$0x30] =	vst v0;
	p1 =	slt.u32 s2, $0x278  }
0x41: {  	[tilespmem:s1+$0xFFFFFFF0] =	vst v0  }
0x42: {  	[tilespmem:s1+$0xFFFFFFC0] =	vst v0  }
0x43: {  	[tilespmem:s0+$0xFFFFFFC0] =	vst v0  }
0x44: {  	[tilespmem:s0+$0x30] =	vst v0  }
0x45: {  	[tilespmem:s1+$0xFFFFFFE0] =	vst v0  }
0x46: {  	[tilespmem:s1+$0x10] =	vst v0  }
0x47: {  	[tilespmem:s1+$0x20] =	vst v0  }
0x48: {  	[tilespmem:s0+$0x20] =	vst v0  }
0x49: {  	[tilespmem:s0+$0x10] =	vst v0  }
.Ltmp3:
0x4a: {  	[tilespmem:s0+$0xFFFFFFE0] =	vst v0;
	(pc) =	sbr.rel @p1 .LBB2_3-.Ltmp3, $4  }
0x4b: {  	[tilespmem:s1+$0x0] =	vst v0  }
0x4c: {  	[tilespmem:s0+$0x0] =	vst v0  }
0x4d: {  	[tilespmem:s0+$0xFFFFFFF0] =	vst v0  }
0x4e: {  	[tilespmem:s1+$0xFFFFFFD0] =	vst v0  }
0x4f: {  	s5 =	rddreg [dreg:$0x12]  }
0x50: {  	s6 =	rddreg [dreg:$0x1b]  }
0x51: {  	s1 =	sadd.s32 $0xFFFFFFF0, s5;
	s2 =	sadd.s32 $0xFFFFFFE0, s6  }
0x52: {  	s1 =	sand.u32 $0x70, s1;
	s2 =	sand.u32 $0x1FF00, s2  }
0x53: {  	[tilespmem:s0+$0xFFFFFFD0] =	vst v0;
	s31 =	sadd.s32 $0xFFFFFF80, s6;
	s3 =	sor.u32 s1, s2  }
0x54: {  	s7 =	sadd.s32 $0xFFFFFFA0, s6;
	s8 =	sadd.s32 $0xFFFFFFC0, s5;
	[dreg:$0x1f] =	wrdreg s3  }
0x55: {  	s0 =	sand.u32 $0xFF00, s31;
	s2 =	sadd.s32 $0xFFFFFFD0, s5;
	v7 =	vld [tilespmem:s3+$0x80];
	s3 =	sand.u32 $0x70, s8  }
0x56: {  	s1 =	sand.u32 $0x70, s2;
	s2 =	sand.u32 $0x1FF00, s7;
	s7 =	sor.u32 s3, s0  }
0x57: {  	s11 =	sor.u32 s1, s2;
	[smem:$0x7F3] =	sst s7  }
0x58: {  	v9 =	vld [tilespmem:s7+$0x80];
	[smem:$0x7F4] =	sst s11  }
0x59: {  	s4 =	sadd.s32 $0xFFFFFFE0, s5;
	s9 =	sadd.s32 $0xFFFFFFC0, s6;
	s14 =	sand.u32 $0x70, s5;
	v10 =	vld [tilespmem:s11+$0x80]  }
0x5a: {  	s15 =	sand.u32 $0x1FF00, s6;
	s10 =	sand.u32 $0x70, s4;
	s0 =	sand.u32 $0x1FF00, s9  }
0x5b: {  	s16 =	sadd.s32 $0xA0, s6;
	s8 =	sadd.s32 $0x50, s5;
	s3 =	sor.u32 s10, s0  }
0x5c: {  	s20 =	sadd.s32 $0xFFFFFFE0, s16;
	s19 =	sadd.s32 $0xFFFFFFF0, s8;
	[smem:$0x7F5] =	sst s3  }
0x5d: {  	s18 =	sor.u32 s14, s15;
	s2 =	sand.u32 $0x1FF00, s20;
	s1 =	sand.u32 $0x70, s19;
	[tilespmem:v7+s13+$0x0] =	vst.idx.add.f32.msk $0xffff, v1  }
0x5e: {  	s23 =	sor.u32 s1, s2;
	v6 =	vld [tilespmem:s3+$0x80];
	[smem:$0x7F6] =	sst s18  }
0x5f: {  	s21 =	sadd.s32 $0xFFFFFF80, s16;
	v7 =	vld [tilespmem:s18+$0x80];
	[smem:$0x7F7] =	sst s23  }
0x60: {  	s24 =	sadd.s32 $0xFFFFFFA0, s16;
	s25 =	sadd.s32 $0xFFFFFFE0, s8;
	s28 =	sadd.s32 $0xFFFFFFC0, s8;
	[tilespmem:v9+s13+$0x0] =	vst.idx.add.f32.msk $0xffff, v1  }
0x61: {  	s26 =	sadd.s32 $0xFFFFFFC0, s16;
	s6 =	sand.u32 $0x70, s28;
	s9 =	sand.u32 $0x70, s25;
	[tilespmem:v10+s13+$0x0] =	vst.idx.add.f32.msk $0xffff, v1  }
0x62: {  	s10 =	sand.u32 $0x1FF00, s26;
	s3 =	sand.u32 $0xFF00, s21;
	v8 =	vld [tilespmem:s23+$0x80];
	[smem:$0x7F8] =	sst s9  }
0x63: {  	s31 =	sand.u32 $0x1FF00, s16;
	s30 =	sor.u32 s6, s3;
	[smem:$0x7F9] =	sst s10  }
0x64: {  	s22 =	sadd.s32 $0xFFFFFFD0, s8;
	s29 =	sand.u32 $0x70, s8;
	[smem:$0x7FA] =	sst s30  }
0x65: {  	s4 =	sand.u32 $0x70, s22;
	s1 =	sand.u32 $0x1FF00, s24;
	v10 =	vld [tilespmem:s30+$0x80];
	[smem:$0x7FB] =	sst s29  }
0x66: {  	s1 =	sor.u32 s4, s1;
	[smem:$0x7FC] =	sst s31  }
0x67: {  	s0 =	simm.s32 $0x5;
	[smem:$0x7FD] =	sst s1  }
0x68: {  	s2 =	sadd.s32 $0x50, s8;
	s4 =	sor.u32 s9, s10;
	v9 =	vld [tilespmem:s1+$0x80];
	[dreg:$0x1d] =	wrdreg s16  }
0x69: {  	s3 =	sor.u32 s29, s31;
	s1 =	sadd.s32 $0xA0, s16;
	[dreg:$0x1e] =	wrdreg s8  }
.LBB2_5:
0x6a: {  	s5 =	sadd.s32 $0xFFFFFFF0, s2  }
0x6b: {  	s6 =	sadd.s32 $0xFFFFFFE0, s1;
	s0 =	sadd.s32 $0x5, s0;
	v11 =	vld [tilespmem:s4+$0x80];
	s7 =	sadd.s32 $0xFFFFFFD0, s2  }
0x6c: {  	s4 =	sand.u32 $0x70, s5;
	s5 =	sand.u32 $0x1FF00, s6;
	p1 =	slt.u32 s0, $0x26C;
	[tilespmem:v8+s13+$0x0] =	vst.idx.add.f32.msk $0xffff, v1  }
0x6d: {  	s8 =	sadd.s32 $0xFFFFFFC0, s1;
	s6 =	sadd.s32 $0xFFFFFF80, s1;
	s4 =	sor.u32 s4, s5;
	v12 =	vld [tilespmem:s3+$0x80]  }
0x6e: {  	s7 =	sand.u32 $0x70, s7;
	s3 =	sadd.s32 $0xFFFFFFA0, s1;
	s5 =	sadd.s32 $0xFFFFFFE0, s2;
	v8 =	vld [tilespmem:s4+$0x80]  }
0x6f: {  	s6 =	sand.u32 $0xFF00, s6;
	s4 =	sadd.s32 $0xFFFFFFC0, s2;
	s3 =	sand.u32 $0x1FF00, s3;
	[tilespmem:v6+s13+$0x0] =	vst.idx.add.f32.msk $0xffff, v1  }
.Ltmp4:
0x70: {  	s5 =	sand.u32 $0x70, s5;
	s4 =	sand.u32 $0x70, s4;
	[tilespmem:v7+s13+$0x0] =	vst.idx.add.f32.msk $0xffff, v1;
	(pc) =	sbr.rel @p1 .LBB2_5-.Ltmp4, $4  }
0x71: {  	s9 =	sand.u32 $0x70, s2;
	s10 =	sand.u32 $0x1FF00, s1;
	s8 =	sand.u32 $0x1FF00, s8;
	v6 =	vmov v11;
	[tilespmem:v10+s13+$0x0] =	vst.idx.add.f32.msk $0xffff, v1  }
0x72: {  	s7 =	sor.u32 s7, s3;
	s6 =	sor.u32 s4, s6;
	s4 =	sor.u32 s5, s8;
	[tilespmem:v9+s13+$0x0] =	vst.idx.add.f32.msk $0xffff, v1;
	v7 =	vmov v12  }
0x73: {  	s3 =	sor.u32 s9, s10;
	v10 =	vld [tilespmem:s6+$0x80]  }
0x74: {  	s1 =	sadd.s32 $0xA0, s1;
	s2 =	sadd.s32 $0x50, s2;
	v9 =	vld [tilespmem:s7+$0x80]  }
0x75: {  	_ = 	snop  }
0x76: {  	v11 =	vld [tilespmem:s4+$0x80]  }
0x77: {  	v12 =	vld [tilespmem:s3+$0x80];
	_ =	sdelay $0x1  }
0x78: {  	[tilespmem:v8+s13+$0x0] =	vst.idx.add.f32.msk $0xffff, v1  }
0x79: {  	[tilespmem:v6+s13+$0x0] =	vst.idx.add.f32.msk $0xffff, v1  }
0x7a: {  	[tilespmem:v7+s13+$0x0] =	vst.idx.add.f32.msk $0xffff, v1  }
0x7b: {  	[tilespmem:v10+s13+$0x0] =	vst.idx.add.f32.msk $0xffff, v1  }
0x7c: {  	[tilespmem:v9+s13+$0x0] =	vst.idx.add.f32.msk $0xffff, v1  }
0x7d: {  	[tilespmem:v11+s13+$0x0] =	vst.idx.add.f32.msk $0xffff, v1  }
0x7e: {  	[tilespmem:v12+s13+$0x0] =	vst.idx.add.f32.msk $0xffff, v1  }
0x7f: {  	s1 =	simm.s32 $0x80;
	s2 =	simm.s32 $0x400;
	s0 =	rddreg [dreg:$0x13]  }
0x80: {  	[spmem:s0] =	stream.strided.scatter [tilespmem:s13], [sflag:$0x1], $0x2800, s2, s1, $0x38;
	[tilespmem:$0x17000] =	vst v63  }
0x81: {  	_ =	swait.ge [sflag:s12], $0x2800  }
0x82: {  	[sflag:s12] =	ssyncset.done $0x0  }
0x83: {  	[sflag:s12] =	ssyncadd.s32 $0xFFFFD800  }
0x84: {  	s14 =	simm.s32 $0x1400;
	s15 =	simm.s32 $0x14000;
	[bflag:$0x0] =	sbarrier.arrive $0xFFFF  }
0x85: {  	s16 =	simm.s32 $0x11D80;
	s18 =	simm.s32 $0x0;
	s13 =	rddreg [dreg:$0x14]  }
0x86: {  	[tilespmem:s16], [sflag:$0x1] =	stream.strided.gather [spmem:s13], $0x2800, s15, s14, $0x38;
	[tilespmem:$0x17000] =	vst v63  }
0x87: {  	s6 =	sand.u32 $0x1C00, s18;
	_ =	swait.ge [sflag:s12], $0x2800  }
0x88: {  	s5 =	sand.u32 $0x40, s18;
	s8 =	sadd.s32 $0x11D80, s6;
	[sflag:s12] =	ssyncset.done $0x0  }
0x89: {  	s19 =	simm.s32 $0x10;
	s9 =	sor.u32 s5, s8;
	[sflag:s12] =	ssyncadd.s32 $0xFFFFD800  }
0x8a: {  	s20 =	simm.s32 $0x20;
	s4 =	sand.u32 $0x50, s19;
	v16 =	vld [tilespmem:s9+$0x0]  }
0x8b: {  	s3 =	sor.u32 s4, s8;
	s0 =	sand.u32 $0x60, s20;
	v19 =	vld [tilespmem:s9+$0x80]  }
0x8c: {  	s7 =	sor.u32 s0, s8;
	v30 =	vld [tilespmem:s3+$0x80]  }
0x8d: {  	s21 =	simm.s32 $0x30;
	v24 =	vld [tilespmem:s7+$0x80]  }
0x8e: {  	s2 =	sand.u32 $0x70, s21;
	v27 =	vld [tilespmem:s7+$0x0]  }
0x8f: {  	s8 =	sor.u32 s2, s8;
	v21 =	vld [tilespmem:s9+$0x100]  }
0x90: {  	v26 =	vld [tilespmem:s8+$0x80]  }
0x91: {  	v32 =	vld [tilespmem:s8+$0x0]  }
0x92: {  	v22 =	vld [tilespmem:s9+$0x180]  }
0x93: {  	v36 =	vld [tilespmem:s3+$0x180]  }
0x94: {  	v28 =	vld [tilespmem:s7+$0x100]  }
0x95: {  	v37 =	vld [tilespmem:s8+$0x180]  }
0x96: {  	v35 =	vld [tilespmem:s9+$0x200]  }
0x97: {  	v39 =	vld [tilespmem:s3+$0x200]  }
0x98: {  	v25 =	vld [tilespmem:s7+$0x180]  }
0x99: {  	v42 =	vld [tilespmem:s8+$0x200]  }
0x9a: {  	v38 =	vld [tilespmem:s9+$0x280]  }
0x9b: {  	v29 =	vld [tilespmem:s3+$0x280]  }
0x9c: {  	v9 =	vld [tilespmem:s7+$0x200]  }
0x9d: {  	v43 =	vld [tilespmem:s8+$0x280]  }
0x9e: {  	v40 =	vld [tilespmem:s9+$0x300]  }
0x9f: {  	v31 =	vld [tilespmem:s3+$0x300]  }
0xa0: {  	s22 =	sadd.s32 $0x13180, s6;
	v11 =	vld [tilespmem:s7+$0x280]  }
0xa1: {  	s23 =	sor.u32 s5, s22;
	v41 =	vld [tilespmem:s9+$0x380]  }
0xa2: {  	s11 =	sor.u32 s4, s22;
	v44 =	vld [tilespmem:s23+$0x0]  }
0xa3: {  	s24 =	sor.u32 s0, s22;
	v12 =	vld [tilespmem:s11+$0x0]  }
0xa4: {  	s25 =	sor.u32 s2, s22;
	s16 =	sadd.s32 $0x13300, s6;
	v13 =	vld [tilespmem:s24+$0x0]  }
0xa5: {  	s19 =	sor.u32 s2, s16;
	v46 =	vld [tilespmem:s25+$0x0]  }
0xa6: {  	v33 =	vld [tilespmem:s19+$0x0]  }
0xa7: {  	v52 =	vld [tilespmem:s8+$0x300]  }
0xa8: {  	v54 =	vld [tilespmem:s3+$0x380]  }
0xa9: {  	v55 =	vld [tilespmem:s7+$0x300]  }
0xaa: {  	v56 =	vld [tilespmem:s8+$0x380]  }
0xab: {  	s12 =	sadd.s32 $0x13280, s6;
	v60 =	vld [tilespmem:s7+$0x380]  }
0xac: {  	s31 =	sor.u32 s5, s12;
	v61 =	vld [tilespmem:s3+$0x0]  }
0xad: {  	s14 =	sor.u32 s4, s12;
	v49 =	vld [tilespmem:s31+$0x0]  }
0xae: {  	s15 =	rddreg [dreg:$0x15];
	s18 =	sor.u32 s2, s12;
	v14 =	vld [tilespmem:s14+$0x0]  }
0xaf: {  	v6 =	vmov s15;
	s23 =	sor.u32 s5, s16;
	v50 =	vld [tilespmem:s18+$0x0]  }
0xb0: {  	v7 =	vshll.u32 v6, $0x3;
	s24 =	sor.u32 s4, s16;
	v53 =	vld [tilespmem:s23+$0x0]  }
0xb1: {  	v6 =	vand.u32 $0x7F, v6;
	s11 =	sadd.s32 $0x13200, s6;
	v7 =	vand.u32 $0xC00, v7;
	v34 =	vld [tilespmem:s24+$0x0]  }
0xb2: {  	s26 =	sor.u32 s5, s11;
	v6 =	vor.u32 v6, v7;
	v7 =	vld [tilespmem:s3+$0x100]  }
0xb3: {  	s9 =	sadd.s32 $0x13400, s6;
	s28 =	sor.u32 s4, s11;
	v45 =	vld [tilespmem:s26+$0x0]  }
0xb4: {  	s29 =	sor.u32 s5, s9;
	v17 =	vld [tilespmem:s28+$0x0]  }
0xb5: {  	s30 =	sor.u32 s2, s11;
	v47 =	vld [tilespmem:s29+$0x0]  }
0xb6: {  	s22 =	sor.u32 s2, s9;
	v48 =	vld [tilespmem:s30+$0x0]  }
0xb7: {  	s25 =	sor.u32 s4, s9;
	v15 =	vld [tilespmem:s22+$0x0]  }
0xb8: {  	s14 =	sadd.s32 $0x13380, s6;
	s31 =	sor.u32 s0, s11;
	v20 =	vld [tilespmem:s25+$0x0]  }
0xb9: {  	s20 =	sor.u32 s2, s14;
	v62 =	vld [tilespmem:s31+$0x0]  }
0xba: {  	s21 =	sor.u32 s5, s14;
	v18 =	vld [tilespmem:s20+$0x0]  }
0xbb: {  	s1 =	sadd.s32 $0x13480, s6;
	s6 =	sadd.s32 $0x13500, s6;
	s26 =	sor.u32 s4, s14;
	v51 =	vld [tilespmem:s21+$0x0];
	v16 =	vadd.f32 v19, v16  }
0xbc: {  	s29 =	sor.u32 s5, s6;
	v8 =	vadd.s32 v2, v6;
	v23 =	vld [tilespmem:s26+$0x0]  }
0xbd: {  	s5 =	sor.u32 s5, s1;
	v57 =	vld [tilespmem:s29+$0x0];
	v16 =	vadd.f32 v21, v16  }
0xbe: {  	s28 =	sor.u32 s4, s6;
	v58 =	vld [tilespmem:s5+$0x0]  }
0xbf: {  	s30 =	sor.u32 s0, s14;
	v19 =	vld [tilespmem:s28+$0x0];
	v16 =	vadd.f32 v22, v16  }
0xc0: {  	v59 =	vadd.s32 v3, v6;
	v30 =	vadd.f32 v30, v61;
	v21 =	vld [tilespmem:s30+$0x0]  }
0xc1: {  	s10 =	sor.u32 s2, s1;
	v10 =	vld.idx.msk [tilespmem:v8+s17+$0x0], $0xffff;
	v16 =	vadd.f32 v35, v16  }
0xc2: {  	s4 =	sor.u32 s4, s1;
	v7 =	vadd.f32 v7, v30;
	v8 =	vld [tilespmem:s10+$0x0]  }
0xc3: {  	s7 =	simm.s32 $0x200;
	v22 =	vld [tilespmem:s4+$0x0];
	v16 =	vadd.f32 v38, v16  }
0xc4: {  	s10 =	sand.u32 $0x1C00, s7;
	v36 =	vadd.f32 v36, v7;
	v38 =	vld [tilespmem:s8+$0x100]  }
0xc5: {  	v63 =	vadd.s32 v5, v6;
	s4 =	sor.u32 s0, s12;
	v35 =	vadd.s32 v4, v6;
	s8 =	sor.u32 s0, s9;
	s9 =	simm.s32 $0x40;
	v6 =	vadd.f32 v40, v16;
	v16 =	vld.idx.msk [tilespmem:v59+s17+$0x0], $0xffff  }
0xc6: {  	s5 =	sor.u32 s0, s16;
	v24 =	vadd.f32 v24, v27;
	s7 =	sadd.s32 $0x11D80, s10;
	v27 =	vadd.f32 v39, v36;
	s11 =	sand.u32 $0x40, s9;
	v59 =	vld [tilespmem:s4+$0x0]  }
0xc7: {  	v40 =	vld [tilespmem:s5+$0x0];
	s31 =	sor.u32 s11, s7  }
0xc8: {  	v27 =	vadd.f32 v29, v27;
	v29 =	vld [tilespmem:s31+$0x280];
	v41 =	vadd.f32 v41, v6  }
0xc9: {  	v26 =	vadd.f32 v26, v32;
	v24 =	vadd.f32 v28, v24;
	v28 =	vld [tilespmem:s31+$0x300]  }
0xca: {  	v31 =	vadd.f32 v31, v27;
	v27 =	vld [tilespmem:s31+$0x380];
	v44 =	vadd.f32 v44, v41  }
0xcb: {  	v6 =	vld.idx.msk [tilespmem:v35+s17+$0x0], $0xffff;
	v38 =	vadd.f32 v38, v26  }
0xcc: {  	s2 =	sor.u32 s2, s6;
	s3 =	simm.s32 $0x50;
	s5 =	sadd.s32 $0x13180, s10;
	v35 =	vld.idx.msk [tilespmem:v63+s17+$0x0], $0xffff;
	v32 =	vadd.f32 v45, v44  }
0xcd: {  	v24 =	vadd.f32 v25, v24;
	s9 =	sand.u32 $0x50, s3;
	s18 =	sor.u32 s11, s5;
	v63 =	vld [tilespmem:s2+$0x0];
	v37 =	vadd.f32 v37, v38  }
0xce: {  	s19 =	sor.u32 s9, s5;
	v25 =	vld [tilespmem:s18+$0x0];
	v32 =	vadd.f32 v49, v32  }
0xcf: {  	s6 =	sor.u32 s0, s6;
	v24 =	vadd.f32 v9, v24;
	v9 =	vld [tilespmem:s19+$0x0];
	v49 =	vadd.f32 v42, v37  }
0xd0: {  	s2 =	simm.s32 $0x70;
	v31 =	vadd.f32 v54, v31;
	v26 =	vld [tilespmem:s6+$0x0];
	v30 =	vadd.f32 v53, v32  }
0xd1: {  	s0 =	sor.u32 s0, s1;
	v11 =	vadd.f32 v11, v24;
	s6 =	sand.u32 $0x70, s2;
	v41 =	vld [tilespmem:s31+$0x0];
	v37 =	vadd.f32 v43, v49  }
0xd2: {  	s2 =	sadd.s32 $0x13200, s10;
	s21 =	sor.u32 s6, s5;
	v24 =	vadd.f32 v12, v31;
	v38 =	vld [tilespmem:s0+$0x0];
	v30 =	vadd.f32 v51, v30  }
0xd3: {  	s22 =	sor.u32 s11, s2;
	v12 =	vld [tilespmem:s21+$0x0];
	v37 =	vadd.f32 v52, v37  }
0xd4: {  	s23 =	sor.u32 s9, s2;
	v31 =	vld [tilespmem:s22+$0x0];
	v17 =	vadd.f32 v17, v24;
	v53 =	vadd.f32 v47, v30  }
0xd5: {  	v55 =	vadd.f32 v55, v11;
	v11 =	vld [tilespmem:s23+$0x0];
	v37 =	vadd.f32 v56, v37  }
0xd6: {  	s4 =	sadd.s32 $0x13480, s10;
	v45 =	vld [tilespmem:s8+$0x0];
	v17 =	vadd.f32 v14, v17;
	v36 =	vadd.f32 v58, v53  }
0xd7: {  	s0 =	sor.u32 s6, s4;
	v44 =	vld [tilespmem:s31+$0x80];
	v37 =	vadd.f32 v46, v37  }
0xd8: {  	s25 =	sor.u32 s6, s2;
	v7 =	vld [tilespmem:s0+$0x0];
	v17 =	vadd.f32 v34, v17;
	v36 =	vadd.f32 v57, v36  }
0xd9: {  	v14 =	vld [tilespmem:s25+$0x0];
	v37 =	vadd.f32 v48, v37  }
0xda: {  	s30 =	sadd.s32 $0x13380, s10;
	v43 =	vld [tilespmem:s31+$0x100];
	v23 =	vadd.f32 v23, v17;
	v54 =	vmul.f32 $6.400000000e+01, v36  }
0xdb: {  	s14 =	sor.u32 s11, s30;
	v32 =	vld [tilespmem:s31+$0x180];
	v37 =	vadd.f32 v50, v37  }
0xdc: {  	s8 =	simm.s32 $0x60;
	s0 =	sadd.s32 $0x13400, s10;
	v34 =	vld [tilespmem:s14+$0x0];
	v23 =	vadd.f32 v20, v23;
	v39 =	vadd.f32 $1.000000000e+00, v54  }
0xdd: {  	s1 =	sand.u32 $0x60, s8;
	s8 =	sadd.s32 $0x13300, s10;
	s18 =	sor.u32 s6, s0;
	v30 =	vld [tilespmem:s31+$0x200];
	v33 =	vadd.f32 v33, v37  }
0xde: {  	s31 =	sor.u32 s6, s8;
	v20 =	vld [tilespmem:s18+$0x0];
	v22 =	vadd.f32 v22, v23;
	v24 =	vshrl.u32 v39, $0x1;
	v46 =	vmul.f32 $5.000000000e-01, v39  }
0xdf: {  	s22 =	sor.u32 s9, s0;
	v56 =	vadd.f32 v60, v55;
	v17 =	vld [tilespmem:s31+$0x0];
	v18 =	vadd.f32 v18, v33;
	v24 =	vsub.s32 $0x5F3759DF, v24  }
0xe0: {  	s20 =	sor.u32 s1, s5;
	v19 =	vadd.f32 v19, v22;
	v22 =	vld [tilespmem:s22+$0x0];
	v57 =	vmul.f32 v24, v46  }
0xe1: {  	s3 =	sadd.s32 $0x13280, s10;
	s23 =	sadd.s32 $0x13500, s10;
	s10 =	sor.u32 s6, s7;
	v36 =	vld [tilespmem:s20+$0x0];
	v39 =	vadd.f32 v13, v56;
	v18 =	vadd.f32 v15, v18  }
0xe2: {  	s20 =	sor.u32 s11, s8;
	v50 =	vld [tilespmem:s10+$0x80];
	v58 =	vmul.f32 v24, v57  }
0xe3: {  	s24 =	sor.u32 s11, s0;
	v48 =	vld [tilespmem:s20+$0x0];
	v39 =	vadd.f32 v62, v39;
	v8 =	vadd.f32 v8, v18  }
0xe4: {  	s26 =	sor.u32 s11, s3;
	v37 =	vld [tilespmem:s24+$0x0];
	v42 =	vsub.f32 $1.500000000e+00, v58  }
0xe5: {  	s28 =	sor.u32 s9, s3;
	v33 =	vld [tilespmem:s26+$0x0];
	v60 =	vadd.f32 v59, v39;
	v8 =	vadd.f32 v63, v8  }
0xe6: {  	s16 =	sadd.s32 $0x1, s15;
	s29 =	sor.u32 s6, s3;
	v13 =	vld [tilespmem:s28+$0x0];
	v62 =	vmul.f32 v24, v42  }
0xe7: {  	v61 =	vmov s16;
	s13 =	sor.u32 s6, s30;
	v15 =	vld [tilespmem:s29+$0x0];
	v23 =	vadd.f32 v40, v60;
	v8 =	vmul.f32 $6.400000000e+01, v8  }
0xe8: {  	s19 =	sor.u32 s9, s7;
	v55 =	vshll.u32 v61, $0x3;
	v19 =	vmul.f32 $6.400000000e+01, v19;
	v18 =	vld [tilespmem:s13+$0x0];
	v56 =	vmul.f32 v62, v46  }
0xe9: {  	s28 =	sor.u32 s1, s7;
	v39 =	vld [tilespmem:s19+$0x100];
	v57 =	vand.u32 $0xC00, v55;
	v21 =	vadd.f32 v21, v23;
	v8 =	vadd.f32 $1.000000000e+00, v8  }
0xea: {  	v55 =	vld [tilespmem:s28+$0x180];
	v60 =	vadd.f32 v44, v41;
	v24 =	vand.u32 $0x7F, v61;
	v47 =	vmul.f32 v56, v62  }
0xeb: {  	v40 =	vld [tilespmem:s19+$0x80];
	v45 =	vadd.f32 v45, v21;
	v59 =	vshrl.u32 v8, $0x1;
	v52 =	vmul.f32 $5.000000000e-01, v8  }
0xec: {  	s21 =	sor.u32 s9, s8;
	v44 =	vld [tilespmem:s28+$0x0];
	v8 =	vadd.f32 $1.000000000e+00, v19;
	v51 =	vsub.s32 $0x5F3759DF, v59;
	v47 =	vsub.f32 $1.500000000e+00, v47  }
0xed: {  	s24 =	sor.u32 s9, s30;
	v23 =	vld [tilespmem:s21+$0x0];
	v42 =	vor.u32 v24, v57;
	v19 =	vadd.f32 v38, v45;
	v61 =	vmul.f32 v51, v52  }
0xee: {  	v24 =	vld [tilespmem:s24+$0x0];
	v53 =	vmul.f32 $5.000000000e-01, v8;
	v41 =	vmul.f32 v47, v62;
	v62 =	vshrl.u32 v8, $0x1  }
0xef: {  	s25 =	sor.u32 s9, s23;
	v57 =	vld [tilespmem:s28+$0x280];
	v19 =	vadd.f32 v26, v19;
	v26 =	vadd.f32 v43, v60;
	v63 =	vsub.s32 $0x5F3759DF, v62  }
0xf0: {  	s26 =	sor.u32 s11, s23;
	v58 =	vadd.s32 v2, v42;
	v21 =	vld [tilespmem:s25+$0x0];
	v59 =	vmul.f32 v51, v61;
	v49 =	vmul.f32 v63, v53  }
0xf1: {  	v45 =	vld [tilespmem:s26+$0x0];
	v19 =	vmul.f32 $6.400000000e+01, v19;
	v26 =	vadd.f32 v32, v26  }
0xf2: {  	v56 =	vld [tilespmem:s28+$0x200];
	v46 =	vmul.f32 v41, v46;
	v60 =	vsub.f32 $1.500000000e+00, v59;
	v49 =	vmul.f32 v63, v49  }
0xf3: {  	v43 =	vld [tilespmem:s10+$0x0];
	v61 =	vadd.f32 $1.000000000e+00, v19;
	v26 =	vadd.f32 v30, v26  }
0xf4: {  	v47 =	vld [tilespmem:s28+$0x80];
	v46 =	vmul.f32 v46, v41;
	v32 =	vmul.f32 v51, v60;
	v30 =	vsub.f32 $1.500000000e+00, v49  }
0xf5: {  	v8 =	vld.idx.msk [tilespmem:v58+s17+$0x0], $0xffff;
	v62 =	vshrl.u32 v61, $0x1;
	v54 =	vmul.f32 $5.000000000e-01, v61;
	v26 =	vadd.f32 v29, v26  }
0xf6: {  	s7 =	sor.u32 s11, s4;
	v19 =	vld [tilespmem:s19+$0x180];
	v29 =	vmul.f32 v32, v52;
	v49 =	vsub.s32 $0x5F3759DF, v62;
	v38 =	vmul.f32 v63, v30  }
0xf7: {  	v59 =	vld [tilespmem:s7+$0x0];
	v26 =	vadd.f32 v28, v26;
	v30 =	vmul.f32 v49, v54  }
0xf8: {  	v51 =	vld [tilespmem:s28+$0x100];
	v28 =	vmul.f32 v29, v32;
	v29 =	vsub.f32 $1.500000000e+00, v46;
	v46 =	vmul.f32 v38, v53  }
0xf9: {  	v60 =	vld [tilespmem:s28+$0x300];
	v26 =	vadd.f32 v27, v26;
	v58 =	vmul.f32 v49, v30  }
0xfa: {  	s11 =	sor.u32 s9, s4;
	s29 =	simm.s32 $0x8F20;
	v61 =	vld [tilespmem:s28+$0x380];
	v27 =	vsub.f32 $1.500000000e+00, v28;
	v28 =	vmul.f32 v46, v38  }
0xfb: {  	[tilespmem:s29+$0xFFFFFFE0] =	vst v10;
	v30 =	vld [tilespmem:s11+$0x0];
	v41 =	vmul.f32 v29, v41;
	v26 =	vadd.f32 v25, v26;
	v46 =	vsub.f32 $1.500000000e+00, v58  }
0xfc: {  	[tilespmem:s29+$0xFFFFFFF0] =	vst v16;
	v29 =	vld [tilespmem:s10+$0x180];
	v58 =	vmul.f32 v27, v32;
	v27 =	vsub.f32 $1.500000000e+00, v28  }
0xfd: {  	[tilespmem:s29+$0x0] =	vst v6;
	s11 =	simm.s32 $0x0;
	v25 =	vld [tilespmem:s19+$0x200];
	v46 =	vmul.f32 v49, v46;
	v28 =	vadd.f32 v31, v26;
	v26 =	vmul.f32 v41, v41  }
0xfe: {  	s12 =	simm.s32 $0x10C20;
	s2 =	sor.u32 s1, s2;
	v44 =	vadd.f32 v47, v44;
	[tilespmem:s11+$0x11880] =	vst v10;
	v32 =	vld [tilespmem:s10+$0x200];
	v31 =	vmul.f32 v58, v52;
	v63 =	vmul.f32 v27, v38  }
0xff: {  	[tilespmem:s12+$0xFFFFFFE0] =	vst v41;
	v10 =	vmul.f32 v41, v10;
	v41 =	vld [tilespmem:s2+$0x0];
	v27 =	vadd.f32 v33, v28;
	v28 =	vmul.f32 v46, v54  }
0x100: {  	s7 =	simm.s32 $0xE1A0;
	v51 =	vadd.f32 v51, v44;
	[tilespmem:s11+$0x10E80] =	vst v26;
	v26 =	vld [tilespmem:s19+$0x280];
	v49 =	vmul.f32 v31, v58;
	v52 =	vmul.f32 v63, v53  }
0x101: {  	v31 =	vld [tilespmem:s10+$0x280];
	[tilespmem:s7+$0xFFFFFFE0] =	vst v10;
	v10 =	vadd.f32 v48, v27;
	v53 =	vmul.f32 v28, v46  }
0x102: {  	[tilespmem:s29+$0x10] =	vst v35;
	s13 =	simm.s32 $0x8F60;
	v38 =	vadd.f32 v55, v51;
	v33 =	vld [tilespmem:s10+$0x300];
	v28 =	vsub.f32 $1.500000000e+00, v49;
	v44 =	vmul.f32 v52, v63  }
0x103: {  	s9 =	sor.u32 s1, s30;
	s30 =	sor.u32 s1, s3;
	s3 =	simm.s32 $0x80;
	[tilespmem:s13+$0xFFFFFFE0] =	vst v8;
	v27 =	vld [tilespmem:s19+$0x300];
	v47 =	vsub.f32 $1.500000000e+00, v53;
	v10 =	vadd.f32 v34, v10  }
0x104: {  	[tilespmem:s3+$0x11880] =	vst v8;
	v56 =	vadd.f32 v56, v38;
	v38 =	vld [tilespmem:s9+$0x0];
	v48 =	vmul.f32 v28, v58;
	v44 =	vsub.f32 $1.500000000e+00, v44  }
0x105: {  	[tilespmem:s11+$0x118A0] =	vst v6;
	v49 =	vadd.s32 v3, v42;
	v28 =	vld [tilespmem:s19+$0x380];
	v46 =	vmul.f32 v47, v46;
	v10 =	vadd.f32 v37, v10  }
0x106: {  	[tilespmem:s11+$0x118B0] =	vst v35;
	v62 =	vadd.f32 v57, v56;
	v58 =	vmul.f32 v48, v48;
	v37 =	vmul.f32 v44, v63;
	v44 =	vld [tilespmem:s19+$0x0]  }
0x107: {  	v51 =	vadd.s32 v4, v42;
	v52 =	vld [tilespmem:s10+$0x100];
	[tilespmem:s12+$0x10] =	vst v48;
	v63 =	vmul.f32 v46, v54;
	v10 =	vadd.f32 v59, v10  }
0x108: {  	s31 =	sor.u32 s1, s8;
	v34 =	vld [tilespmem:s10+$0x380];
	v35 =	vmul.f32 v48, v35;
	v57 =	vadd.f32 v60, v62;
	[tilespmem:s11+$0x10EB0] =	vst v58;
	v58 =	vadd.s32 v5, v42  }
0x109: {  	[tilespmem:s11+$0x11890] =	vst v16;
	v60 =	vadd.f32 v50, v43;
	v43 =	vld [tilespmem:s31+$0x0];
	v47 =	vmul.f32 v63, v46;
	v45 =	vadd.f32 v45, v10  }
0x10a: {  	s14 =	simm.s32 $0x80;
	v61 =	vadd.f32 v61, v57;
	v42 =	vld [tilespmem:s30+$0x0];
	[tilespmem:s7+$0x10] =	vst v35;
	v59 =	vmul.f32 v37, v37;
	v16 =	vmul.f32 v37, v16  }
0x10b: {  	s22 =	simm.s32 $0x400;
	s8 =	simm.s32 $0x4;
	s20 =	sor.u32 s1, s0;
	[tilespmem:s12+$0xFFFFFFF0] =	vst v37;
	v10 =	vld.idx.msk [tilespmem:v49+s17+$0x0], $0xffff;
	v47 =	vsub.f32 $1.500000000e+00, v47;
	v62 =	vmul.f32 $6.400000000e+01, v45;
	v63 =	vadd.f32 v40, v44  }
0x10c: {  	s24 =	sor.u32 s1, s23;
	s25 =	sor.u32 s6, s23;
	s9 =	sadd.s32 $0x1, s16;
	v37 =	vld.idx.msk [tilespmem:v51+s17+$0x0], $0xffff;
	[tilespmem:s11+$0x10E90] =	vst v59;
	v45 =	vadd.f32 v36, v61;
	v44 =	vadd.f32 v52, v60  }
0x10d: {  	s10 =	simm.s32 $0xE1E0;
	s19 =	sor.u32 s1, s4;
	s4 =	simm.s32 $0x10C60;
	[tilespmem:s7+$0xFFFFFFF0] =	vst v16;
	v16 =	vld.idx.msk [tilespmem:v58+s17+$0x0], $0xffff;
	v36 =	vmul.f32 v47, v46;
	v40 =	vadd.f32 $1.000000000e+00, v62;
	v35 =	vadd.f32 v39, v63  }
.LBB2_7:
0x10e: {  	_ = 	snop  }
0x10f: {  	s2 =	sand.u32 $0x1C00, s22;
	s0 =	sadd.s32 $0x10, s14;
	v51 =	vld [tilespmem:s25+$0x0];
	[tilespmem:s12+$0x0] =	vst v36  }
0x110: {  	v29 =	vadd.f32 v29, v44;
	s16 =	sadd.s32 $0x11D80, s2;
	s1 =	sand.u32 $0x50, s0;
	s0 =	sand.u32 $0x40, s14;
	v44 =	vld [tilespmem:s24+$0x0]  }
0x111: {  	v39 =	vmov s9;
	v46 =	vmul.f32 v36, v36;
	v50 =	vld [tilespmem:s20+$0x0];
	s20 =	sor.u32 s0, s16  }
0x112: {  	v47 =	vand.u32 $0x7F, v39;
	v39 =	vshll.u32 v39, $0x3;
	v59 =	vld [tilespmem:s20+$0x0]  }
0x113: {  	s5 =	sadd.s32 $0x13300, s2;
	v48 =	vmul.f32 v36, v6;
	v56 =	vand.u32 $0xC00, v39;
	v29 =	vadd.f32 v32, v29;
	[tilespmem:s11+$0x10EA0] =	vst v46;
	v55 =	vld [tilespmem:s20+$0x100]  }
0x114: {  	s15 =	sor.u32 s0, s5;
	v19 =	vadd.f32 v19, v35;
	v36 =	vor.u32 v47, v56;
	v56 =	vld [tilespmem:s20+$0x180];
	[tilespmem:s13+$0xFFFFFFF0] =	vst v10  }
0x115: {  	v57 =	vshrl.u32 v40, $0x1;
	v52 =	vmul.f32 $5.000000000e-01, v40;
	[dreg:$0x8] =	wrdreg s15;
	s15 =	sor.u32 s1, s16;
	v49 =	vld [tilespmem:s19+$0x0];
	[tilespmem:s7+$0x0] =	vst v48;
	v29 =	vadd.f32 v31, v29  }
0x116: {  	s6 =	sadd.s32 $0x20, s14;
	s12 =	sadd.s32 $0x30, s14;
	v58 =	vsub.s32 $0x5F3759DF, v57;
	v6 =	vmov v37;
	v19 =	vadd.f32 v25, v19;
	[tilespmem:s13+$0x10] =	vst v16;
	v35 =	vld [tilespmem:s15+$0x100]  }
0x117: {  	s24 =	sadd.s32 $0x13480, s2;
	s28 =	sand.u32 $0x70, s12;
	s11 =	smov.u32 s3;
	v61 =	vmul.f32 v58, v52;
	[tilespmem:s13+$0x0] =	vst v6;
	v31 =	vld [tilespmem:s20+$0x80];
	v29 =	vadd.f32 v33, v29  }
0x118: {  	s23 =	sand.u32 $0x60, s6;
	s29 =	sor.u32 s28, s24;
	v39 =	vld [tilespmem:s15+$0x80];
	[tilespmem:s11+$0x118B0] =	vst v16;
	v19 =	vadd.f32 v26, v19  }
0x119: {  	s30 =	sor.u32 s23, s16;
	v25 =	vmul.f32 v58, v61;
	[tilespmem:s11+$0x118A0] =	vst v6;
	v63 =	vld [tilespmem:s29+$0x0];
	v26 =	vadd.f32 v34, v29  }
0x11a: {  	v60 =	vadd.s32 v2, v36;
	v62 =	vld [tilespmem:s30+$0x80];
	v19 =	vadd.f32 v27, v19  }
0x11b: {  	v25 =	vsub.f32 $1.500000000e+00, v25;
	v46 =	vld [tilespmem:s30+$0x100];
	v12 =	vadd.f32 v12, v26  }
0x11c: {  	s26 =	sor.u32 s28, s16;
	v47 =	vld [tilespmem:s30+$0x180];
	v19 =	vadd.f32 v28, v19  }
0x11d: {  	v33 =	vld [tilespmem:s26+$0x300];
	v32 =	vmul.f32 v58, v25;
	v12 =	vadd.f32 v14, v12  }
0x11e: {  	v27 =	vld [tilespmem:s30+$0x0];
	v9 =	vadd.f32 v9, v19  }
0x11f: {  	v53 =	vld.idx.msk [tilespmem:v60+s17+$0x0], $0xffff;
	v26 =	vmul.f32 v32, v52;
	v12 =	vadd.f32 v15, v12  }
0x120: {  	v25 =	vld [tilespmem:s26+$0x80];
	v9 =	vadd.f32 v11, v9  }
0x121: {  	v29 =	vld [tilespmem:s26+$0x180];
	v26 =	vmul.f32 v26, v32;
	v11 =	vadd.f32 v17, v12  }
0x122: {  	v14 =	vld [tilespmem:s26+$0x0];
	v9 =	vadd.f32 v13, v9  }
0x123: {  	v34 =	vld [tilespmem:s26+$0x380];
	v12 =	vsub.f32 $1.500000000e+00, v26;
	v11 =	vadd.f32 v18, v11  }
0x124: {  	[tilespmem:s11+$0x11890] =	vst v10;
	v54 =	vadd.f32 v31, v59;
	v31 =	vld [tilespmem:s26+$0x280];
	v9 =	vadd.f32 v23, v9  }
0x125: {  	v28 =	vld [tilespmem:s15+$0x380];
	v48 =	vadd.f32 v62, v27;
	v12 =	vmul.f32 v12, v32;
	v11 =	vadd.f32 v20, v11  }
0x126: {  	v19 =	vld [tilespmem:s15+$0x180];
	v15 =	vadd.f32 v41, v45;
	v9 =	vadd.f32 v24, v9  }
0x127: {  	v27 =	vld [tilespmem:s15+$0x300];
	v40 =	vadd.f32 v25, v14;
	v14 =	vmul.f32 v12, v52;
	v11 =	vadd.f32 v7, v11  }
0x128: {  	v41 =	vld [tilespmem:s30+$0x200];
	v15 =	vadd.f32 v42, v15;
	v9 =	vadd.f32 v22, v9  }
0x129: {  	s21 =	smov.u32 s4;
	v13 =	vld [tilespmem:s20+$0x200];
	v14 =	vmul.f32 v14, v12;
	v11 =	vadd.f32 v51, v11  }
0x12a: {  	[dreg:$0xc] =	wrdreg s21;
	s31 =	sor.u32 s1, s5;
	v17 =	vld [tilespmem:s20+$0x280];
	v15 =	vadd.f32 v43, v15;
	v9 =	vadd.f32 v30, v9  }
0x12b: {  	s18 =	sor.u32 s23, s5;
	[dreg:$0x7] =	wrdreg s31;
	v26 =	vld [tilespmem:s15+$0x280];
	v14 =	vsub.f32 $1.500000000e+00, v14;
	v11 =	vmul.f32 $6.400000000e+01, v11  }
0x12c: {  	[dreg:$0x6] =	wrdreg s18;
	v42 =	vld [tilespmem:s30+$0x300];
	v15 =	vadd.f32 v38, v15;
	v9 =	vadd.f32 v21, v9  }
0x12d: {  	s18 =	sadd.s32 $0x13500, s2;
	s21 =	sor.u32 s0, s24;
	s31 =	sor.u32 s1, s24;
	v25 =	vld [tilespmem:s15+$0x200];
	v12 =	vmul.f32 v14, v12;
	v11 =	vadd.f32 $1.000000000e+00, v11  }
0x12e: {  	s19 =	smov.u32 s10;
	s25 =	sor.u32 s28, s18;
	[dreg:$0x9] =	wrdreg s21;
	v32 =	vld [tilespmem:s26+$0x200];
	v14 =	vadd.f32 v50, v15;
	v9 =	vmul.f32 $6.400000000e+01, v9  }
0x12f: {  	s16 =	sor.u32 s0, s18;
	[dreg:$0xa] =	wrdreg s31;
	s7 =	sadd.s32 $0x13180, s2;
	v18 =	vld [tilespmem:s20+$0x300];
	v20 =	vmul.f32 v12, v12;
	v21 =	vshrl.u32 v11, $0x1;
	v22 =	vmul.f32 $5.000000000e-01, v11  }
0x130: {  	s3 =	sor.u32 s1, s18;
	[dreg:$0xb] =	wrdreg s19;
	s21 =	sor.u32 s23, s7;
	v15 =	vld [tilespmem:s20+$0x380];
	[tilespmem:s4+$0xFFFFFFE0] =	vst v12;
	v9 =	vadd.f32 $1.000000000e+00, v9;
	v11 =	vadd.f32 v55, v54;
	v21 =	vsub.s32 $0x5F3759DF, v21  }
0x131: {  	s19 =	sor.u32 s23, s24;
	s24 =	sor.u32 s23, s18;
	s18 =	sor.u32 s1, s7;
	v43 =	vld [tilespmem:s21+$0x0];
	v12 =	vmul.f32 v12, v8;
	v14 =	vadd.f32 v49, v14;
	[tilespmem:s11+$0x10E80] =	vst v20;
	v20 =	vmul.f32 v21, v22  }
0x132: {  	s6 =	sor.u32 s28, s7;
	s17 =	sor.u32 s0, s7;
	v23 =	vshrl.u32 v9, $0x1;
	v24 =	vmul.f32 $5.000000000e-01, v9;
	v9 =	vld [tilespmem:s18+$0x0];
	s18 =	sadd.s32 $0x13200, s2;
	v11 =	vadd.f32 v56, v11  }
0x133: {  	s21 =	sadd.s32 $0x13280, s2;
	v30 =	vld [tilespmem:s17+$0x0];
	[tilespmem:s10+$0xFFFFFFE0] =	vst v12;
	v12 =	vadd.f32 v44, v14;
	v23 =	vsub.s32 $0x5F3759DF, v23;
	s31 =	sor.u32 s0, s18;
	s7 =	sor.u32 s1, s18;
	v14 =	vmul.f32 v21, v20  }
0x134: {  	v38 =	vld [tilespmem:s30+$0x280];
	s29 =	sor.u32 s23, s18;
	s12 =	sor.u32 s28, s18;
	s18 =	sor.u32 s0, s21;
	v11 =	vadd.f32 v13, v11;
	v13 =	vmul.f32 v23, v24  }
0x135: {  	v46 =	vadd.f32 v46, v48;
	v58 =	vld [tilespmem:s18+$0x0];
	v20 =	vmul.f32 $6.400000000e+01, v12;
	v14 =	vsub.f32 $1.500000000e+00, v14  }
0x136: {  	s18 =	rddreg [dreg:$0x8];
	v12 =	vld [tilespmem:s6+$0x0];
	v11 =	vadd.f32 v17, v11;
	v13 =	vmul.f32 v23, v13  }
0x137: {  	s5 =	sor.u32 s28, s5;
	v46 =	vadd.f32 v47, v46;
	s6 =	sadd.s32 $0x13400, s2;
	v62 =	vld [tilespmem:s18+$0x0];
	v20 =	vadd.f32 $1.000000000e+00, v20;
	v21 =	vmul.f32 v21, v14  }
0x138: {  	s2 =	sadd.s32 $0x13380, s2;
	s17 =	sor.u32 s0, s6;
	s20 =	sor.u32 s23, s6;
	v17 =	vld [tilespmem:s31+$0x0];
	v14 =	vadd.f32 v18, v11;
	v13 =	vsub.f32 $1.500000000e+00, v13  }
0x139: {  	s0 =	sor.u32 s0, s2;
	s31 =	sor.u32 s1, s6;
	v44 =	vld [tilespmem:s17+$0x0];
	s17 =	sor.u32 s1, s21;
	v18 =	vshrl.u32 v20, $0x1;
	v45 =	vmul.f32 $5.000000000e-01, v20;
	v20 =	vmul.f32 v21, v22  }
0x13a: {  	v41 =	vadd.f32 v41, v46;
	s1 =	sor.u32 s1, s2;
	v11 =	vld [tilespmem:s7+$0x0];
	s7 =	sor.u32 s28, s6;
	s6 =	sor.u32 s23, s21;
	v23 =	vmul.f32 v23, v13  }
0x13b: {  	v50 =	vld [tilespmem:s0+$0x0];
	s21 =	sor.u32 s28, s21;
	s28 =	sor.u32 s28, s2;
	s2 =	sor.u32 s23, s2;
	v57 =	vsub.s32 $0x5F3759DF, v18;
	v20 =	vmul.f32 v20, v21  }
0x13c: {  	v41 =	vadd.f32 v38, v41;
	v38 =	vld [tilespmem:s2+$0x0];
	v18 =	vmul.f32 v57, v45;
	v59 =	vmul.f32 v23, v24  }
0x13d: {  	v15 =	vadd.f32 v15, v14;
	v14 =	vld [tilespmem:s12+$0x0];
	v20 =	vsub.f32 $1.500000000e+00, v20  }
0x13e: {  	v13 =	vld [tilespmem:s17+$0x0];
	v60 =	vmul.f32 v57, v18;
	v51 =	vmul.f32 v59, v23  }
0x13f: {  	v30 =	vadd.f32 v30, v15;
	v15 =	vld [tilespmem:s21+$0x0];
	v61 =	vmul.f32 v20, v21  }
0x140: {  	v18 =	vld [tilespmem:s28+$0x0];
	v52 =	vsub.f32 $1.500000000e+00, v60;
	v21 =	vsub.f32 $1.500000000e+00, v51  }
0x141: {  	s23 =	rddreg [dreg:$0x9];
	v30 =	vadd.f32 v17, v30;
	v17 =	vld [tilespmem:s5+$0x0];
	v22 =	vmul.f32 v61, v22  }
0x142: {  	v60 =	vld [tilespmem:s23+$0x0];
	v49 =	vmul.f32 v57, v52;
	v52 =	vmul.f32 v21, v23  }
0x143: {  	v7 =	vmov v63;
	v30 =	vadd.f32 v58, v30;
	v20 =	vld [tilespmem:s7+$0x0];
	v63 =	vmul.f32 v22, v61  }
0x144: {  	s21 =	rddreg [dreg:$0x7];
	v51 =	vld [tilespmem:s16+$0x0];
	v21 =	vmul.f32 v49, v45;
	v57 =	vmul.f32 v52, v24  }
0x145: {  	v23 =	vld [tilespmem:s21+$0x0];
	v30 =	vadd.f32 v62, v30;
	v54 =	vsub.f32 $1.500000000e+00, v63  }
0x146: {  	v22 =	vld [tilespmem:s31+$0x0];
	v58 =	vmul.f32 v21, v49;
	v55 =	vmul.f32 v57, v52  }
0x147: {  	v24 =	vld [tilespmem:s1+$0x0];
	v50 =	vadd.f32 v50, v30;
	v59 =	vmul.f32 v54, v61  }
0x148: {  	v21 =	vld [tilespmem:s3+$0x0];
	v48 =	vsub.f32 $1.500000000e+00, v58;
	v61 =	vsub.f32 $1.500000000e+00, v55  }
0x149: {  	v37 =	vadd.s32 v3, v36;
	v63 =	vld [tilespmem:s30+$0x380];
	v62 =	vmul.f32 v59, v59  }
0x14a: {  	s28 =	rddreg [dreg:$0xa];
	v44 =	vadd.f32 v44, v50;
	v57 =	vld [tilespmem:s15+$0x0];
	v48 =	vmul.f32 v48, v49;
	[tilespmem:s4+$0x10] =	vst v59;
	v52 =	vmul.f32 v61, v52  }
0x14b: {  	v30 =	vld [tilespmem:s28+$0x0];
	v58 =	vadd.s32 v4, v36;
	v16 =	vmul.f32 v59, v16;
	[tilespmem:s11+$0x10EB0] =	vst v62  }
0x14c: {  	s8 =	sadd.s32 $0x4, s8;
	v44 =	vadd.f32 v60, v44;
	v45 =	vmul.f32 v48, v45;
	[tilespmem:s4+$0xFFFFFFF0] =	vst v52;
	v59 =	vmul.f32 v52, v52;
	v60 =	vld [tilespmem:s26+$0x100]  }
0x14d: {  	p1 =	slt.u32 s8, $0x24;
	v61 =	vadd.s32 v5, v36;
	[tilespmem:s10+$0x10] =	vst v16;
	v16 =	vadd.f32 v42, v41;
	v41 =	vld [tilespmem:s29+$0x0]  }
.Ltmp5:
0x14e: {  	v8 =	vmov v53;
	s17 =	simm.s32 $0x4F00;
	v44 =	vadd.f32 v51, v44;
	v62 =	vmul.f32 v45, v48;
	v42 =	vld [tilespmem:s6+$0x0];
	[tilespmem:s11+$0x10E90] =	vst v59;
	(pc) =	sbr.rel @p1 .LBB2_7-.Ltmp5, $4  }
0x14f: {  	s13 =	sadd.s32 $0x40, s13;
	s12 =	rddreg [dreg:$0xc];
	v39 =	vadd.f32 v39, v57;
	v52 =	vmul.f32 v52, v10;
	v10 =	vld.idx.msk [tilespmem:v37+s17+$0x0], $0xffff;
	v16 =	vadd.f32 v63, v16  }
0x150: {  	[tilespmem:s13+$0xFFFFFFE0] =	vst v8;
	s3 =	sshra.s32 s22, $0x2;
	s31 =	rddreg [dreg:$0x6];
	v36 =	vsub.f32 $1.500000000e+00, v62;
	v63 =	vmul.f32 $6.400000000e+01, v44;
	v37 =	vld.idx.msk [tilespmem:v58+s17+$0x0], $0xffff  }
0x151: {  	s9 =	sadd.s32 $0x1, s9;
	s14 =	sadd.s32 $0x40, s14;
	s7 =	rddreg [dreg:$0xb];
	[tilespmem:s3+$0x11880] =	vst v8;
	v35 =	vadd.f32 v35, v39;
	v45 =	vadd.f32 v43, v16;
	v43 =	vld [tilespmem:s31+$0x0]  }
0x152: {  	s22 =	sadd.s32 $0x200, s22;
	s4 =	sadd.s32 $0x40, s4;
	[tilespmem:s10+$0xFFFFFFF0] =	vst v52;
	s10 =	sadd.s32 $0x40, s10;
	v36 =	vmul.f32 v36, v48;
	v16 =	vld.idx.msk [tilespmem:v61+s17+$0x0], $0xffff;
	v44 =	vadd.f32 v60, v40;
	v40 =	vadd.f32 $1.000000000e+00, v63  }
0x153: {  	_ = 	snop  }
0x154: {  	v29 =	vadd.f32 v29, v44;
	_ =	sdelay $0x1  }
0x155: {  	v29 =	vadd.f32 v32, v29  }
0x156: {  	v19 =	vadd.f32 v19, v35  }
0x157: {  	v29 =	vadd.f32 v31, v29  }
0x158: {  	v19 =	vadd.f32 v25, v19  }
0x159: {  	v49 =	vadd.f32 v33, v29  }
0x15a: {  	v19 =	vadd.f32 v26, v19  }
0x15b: {  	v25 =	vadd.f32 v34, v49  }
0x15c: {  	v19 =	vadd.f32 v27, v19  }
0x15d: {  	v12 =	vadd.f32 v12, v25  }
0x15e: {  	v19 =	vadd.f32 v28, v19  }
0x15f: {  	v12 =	vadd.f32 v14, v12  }
0x160: {  	v9 =	vadd.f32 v9, v19  }
0x161: {  	v12 =	vadd.f32 v15, v12  }
0x162: {  	v9 =	vadd.f32 v11, v9  }
0x163: {  	v11 =	vadd.f32 v17, v12  }
0x164: {  	v9 =	vadd.f32 v13, v9  }
0x165: {  	v12 =	vadd.f32 v41, v45;
	v11 =	vadd.f32 v18, v11  }
0x166: {  	v13 =	vld [tilespmem:s25+$0x0];
	v9 =	vadd.f32 v23, v9  }
0x167: {  	v12 =	vadd.f32 v42, v12;
	v11 =	vadd.f32 v20, v11  }
0x168: {  	v14 =	vld [tilespmem:s20+$0x0];
	v9 =	vadd.f32 v24, v9  }
0x169: {  	v7 =	vadd.f32 v7, v11;
	v11 =	vadd.f32 v43, v12  }
0x16a: {  	v9 =	vadd.f32 v22, v9;
	v12 =	vld [tilespmem:s19+$0x0]  }
0x16b: {  	v7 =	vadd.f32 v13, v7;
	v11 =	vadd.f32 v38, v11  }
0x16c: {  	v50 =	vmul.f32 $5.000000000e-01, v40;
	v15 =	vshrl.u32 v40, $0x1;
	v9 =	vadd.f32 v30, v9;
	v13 =	vld [tilespmem:s24+$0x0]  }
0x16d: {  	v15 =	vsub.s32 $0x5F3759DF, v15;
	v7 =	vmul.f32 $6.400000000e+01, v7;
	v11 =	vadd.f32 v14, v11  }
0x16e: {  	v9 =	vadd.f32 v21, v9;
	v14 =	vmul.f32 v15, v50  }
0x16f: {  	v7 =	vadd.f32 $1.000000000e+00, v7;
	v11 =	vadd.f32 v12, v11  }
0x170: {  	v9 =	vmul.f32 $6.400000000e+01, v9;
	v12 =	vmul.f32 v15, v14  }
0x171: {  	v14 =	vshrl.u32 v7, $0x1;
	v7 =	vmul.f32 $5.000000000e-01, v7;
	v11 =	vadd.f32 v13, v11  }
0x172: {  	v9 =	vadd.f32 $1.000000000e+00, v9;
	v12 =	vsub.f32 $1.500000000e+00, v12;
	v13 =	vsub.s32 $0x5F3759DF, v14  }
0x173: {  	v14 =	vmul.f32 v13, v7;
	v11 =	vmul.f32 $6.400000000e+01, v11  }
0x174: {  	v12 =	vmul.f32 v15, v12;
	v15 =	vshrl.u32 v9, $0x1;
	v9 =	vmul.f32 $5.000000000e-01, v9  }
0x175: {  	v15 =	vsub.s32 $0x5F3759DF, v15;
	v14 =	vmul.f32 v13, v14;
	v11 =	vadd.f32 $1.000000000e+00, v11  }
0x176: {  	v51 =	vmul.f32 v12, v50;
	v52 =	vmul.f32 v15, v9  }
0x177: {  	v14 =	vsub.f32 $1.500000000e+00, v14;
	v53 =	vshrl.u32 v11, $0x1;
	v11 =	vmul.f32 $5.000000000e-01, v11  }
0x178: {  	v18 =	vmul.f32 v51, v12;
	v19 =	vmul.f32 v15, v52;
	v20 =	vsub.s32 $0x5F3759DF, v53  }
0x179: {  	v13 =	vmul.f32 v13, v14;
	v14 =	vmul.f32 v20, v11  }
0x17a: {  	v18 =	vsub.f32 $1.500000000e+00, v18;
	v19 =	vsub.f32 $1.500000000e+00, v19  }
0x17b: {  	v54 =	vmul.f32 v13, v7;
	v14 =	vmul.f32 v20, v14  }
0x17c: {  	v12 =	vmul.f32 v18, v12;
	v15 =	vmul.f32 v15, v19  }
0x17d: {  	v55 =	vmul.f32 v36, v36;
	v56 =	vmul.f32 v54, v13;
	v14 =	vsub.f32 $1.500000000e+00, v14  }
0x17e: {  	v17 =	vmul.f32 v12, v50;
	v57 =	vmul.f32 v15, v9  }
0x17f: {  	v6 =	vmul.f32 v36, v6;
	v19 =	vsub.f32 $1.500000000e+00, v56;
	v14 =	vmul.f32 v20, v14  }
0x180: {  	[tilespmem:s12+$0x0] =	vst v36;
	v17 =	vmul.f32 v17, v12;
	v58 =	vmul.f32 v57, v15  }
0x181: {  	[tilespmem:s13+$0xFFFFFFF0] =	vst v10;
	v13 =	vmul.f32 v19, v13;
	v59 =	vmul.f32 v14, v11  }
0x182: {  	[tilespmem:s11+$0x10EA0] =	vst v55;
	v60 =	vsub.f32 $1.500000000e+00, v58  }
0x183: {  	[tilespmem:s7+$0x0] =	vst v6;
	v6 =	vsub.f32 $1.500000000e+00, v17;
	v7 =	vmul.f32 v13, v7;
	v61 =	vmul.f32 v59, v14  }
0x184: {  	[tilespmem:s3+$0x11890] =	vst v10;
	v15 =	vmul.f32 v60, v15  }
0x185: {  	[tilespmem:s13+$0x10] =	vst v16;
	v6 =	vmul.f32 v6, v12;
	v7 =	vmul.f32 v7, v13;
	v12 =	vsub.f32 $1.500000000e+00, v61  }
0x186: {  	[tilespmem:s3+$0x118B0] =	vst v16;
	v9 =	vmul.f32 v15, v9  }
0x187: {  	[tilespmem:s13+$0x0] =	vst v37;
	v62 =	vmul.f32 v6, v6;
	v7 =	vsub.f32 $1.500000000e+00, v7;
	v12 =	vmul.f32 v12, v14  }
0x188: {  	[tilespmem:s3+$0x118A0] =	vst v37;
	v8 =	vmul.f32 v6, v8;
	v9 =	vmul.f32 v9, v15  }
0x189: {  	[tilespmem:s4+$0xFFFFFFE0] =	vst v6;
	v6 =	vmul.f32 v7, v13;
	v7 =	vmul.f32 v12, v11  }
0x18a: {  	[tilespmem:s3+$0x10E80] =	vst v62;
	v9 =	vsub.f32 $1.500000000e+00, v9  }
0x18b: {  	[tilespmem:s10+$0xFFFFFFE0] =	vst v8;
	v8 =	vmul.f32 v6, v6;
	v7 =	vmul.f32 v7, v12  }
0x18c: {  	[tilespmem:s4+$0x10] =	vst v6;
	v9 =	vmul.f32 v9, v15  }
0x18d: {  	v6 =	vmul.f32 v6, v16;
	[tilespmem:s3+$0x10EB0] =	vst v8;
	v7 =	vsub.f32 $1.500000000e+00, v7  }
0x18e: {  	[tilespmem:s4+$0xFFFFFFF0] =	vst v9;
	v8 =	vmul.f32 v9, v9  }
0x18f: {  	v9 =	vmul.f32 v9, v10;
	[tilespmem:s10+$0x10] =	vst v6;
	v6 =	vmul.f32 v7, v12  }
0x190: {  	[tilespmem:s3+$0x10E90] =	vst v8  }
0x191: {  	[tilespmem:s10+$0xFFFFFFF0] =	vst v9;
	v7 =	vmul.f32 v6, v6  }
0x192: {  	[tilespmem:s4+$0x0] =	vst v6;
	v6 =	vmul.f32 v6, v37  }
0x193: {  	[tilespmem:s3+$0x10EA0] =	vst v7  }
0x194: {  	[tilespmem:s10+$0x0] =	vst v6  }
0x195: {  	s1 =	simm.s32 $0xE180;
	s12 =	simm.s32 $0x1;
	s0 =	rddreg [dreg:$0x17]  }
0x196: {  	[spmem:s0] =	stream.linear.scatter [tilespmem:s1], [sflag:$0x1], $0x280, $0x38;
	[tilespmem:$0x17000] =	vst v63  }
0x197: {  	_ =	swait.ge [sflag:s12], $0x280  }
0x198: {  	[sflag:s12] =	ssyncset.done $0x0  }
0x199: {  	[sflag:s12] =	ssyncadd.s32 $0xFFFFFD80  }
0x19a: {  	[bflag:$0x0] =	sbarrier.arrive $0xFFFF  }
0x19b: {  	s13 =	simm.s32 $0xE400;
	s17 =	rddreg [dreg:$0x4]  }
0x19c: {  	[tilespmem:s13], [sflag:$0x1] =	stream.linear.gather [spmem:s17], $0x2800, $0x38;
	[tilespmem:$0x17000] =	vst v63  }
0x19d: {  	_ =	swait.ge [sflag:s12], $0x2800  }
0x19e: {  	[sflag:s12] =	ssyncset.done $0x0  }
0x19f: {  	s18 =	rddreg [dreg:$0x1f];
	[sflag:s12] =	ssyncadd.s32 $0xFFFFD800  }
0x1a0: {  	v6 =	vld [tilespmem:s18+$0x0]  }
0x1a1: {  	s19 =	sld [smem:$0x7F3];
	_ =	sdelay $0x1  }
0x1a2: {  	s20 =	sld [smem:$0x7F4]  }
0x1a3: {  	s21 =	sld [smem:$0x7F5];
	v7 =	vld [tilespmem:s19+$0x0]  }
0x1a4: {  	v8 =	vld [tilespmem:s18+$0x80]  }
0x1a5: {  	s2 =	sld [smem:$0x7F6];
	v9 =	vld [tilespmem:s20+$0x0]  }
0x1a6: {  	v10 =	vld [tilespmem:s21+$0x0]  }
0x1a7: {  	v6 =	vld.idx.msk [tilespmem:v6+s13+$0x0], $0xffff  }
0x1a8: {  	v11 =	vld [tilespmem:s2+$0x0]  }
0x1a9: {  	v12 =	vld [tilespmem:s19+$0x80]  }
0x1aa: {  	v13 =	vld [tilespmem:s20+$0x80]  }
0x1ab: {  	s14 =	simm.s32 $0xB980;
	v14 =	vld.idx.msk [tilespmem:v7+s13+$0x0], $0xffff  }
0x1ac: {  	[tilespmem:v8+s14+$0x0] =	vst.idx.add.f32.msk $0xffff, v6  }
0x1ad: {  	v8 =	vld [tilespmem:s21+$0x80]  }
0x1ae: {  	v9 =	vld.idx.msk [tilespmem:v9+s13+$0x0], $0xffff;
	_ =	sdelay $0x1  }
0x1af: {  	v10 =	vld.idx.msk [tilespmem:v10+s13+$0x0], $0xffff  }
0x1b0: {  	v6 =	vld.idx.msk [tilespmem:v11+s13+$0x0], $0xffff;
	s22 =	sld [smem:$0x7F7]  }
0x1b1: {  	[tilespmem:v12+s14+$0x0] =	vst.idx.add.f32.msk $0xffff, v14  }
0x1b2: {  	[tilespmem:v13+s14+$0x0] =	vst.idx.add.f32.msk $0xffff, v9  }
0x1b3: {  	v11 =	vld [tilespmem:s22+$0x0]  }
0x1b4: {  	[tilespmem:v8+s14+$0x0] =	vst.idx.add.f32.msk $0xffff, v10  }
0x1b5: {  	s23 =	sld [smem:$0x7FA]  }
0x1b6: {  	s24 =	sld [smem:$0x7FD]  }
0x1b7: {  	s25 =	sld [smem:$0x7F8]  }
0x1b8: {  	v7 =	vld [tilespmem:s2+$0x80];
	s26 =	sld [smem:$0x7F9]  }
0x1b9: {  	v12 =	vld [tilespmem:s22+$0x80];
	s28 =	sld [smem:$0x7FB]  }
0x1ba: {  	s29 =	sld [smem:$0x7FC];
	v9 =	vld [tilespmem:s23+$0x0]  }
0x1bb: {  	v15 =	vld [tilespmem:s24+$0x0]  }
0x1bc: {  	s1 =	sor.u32 s25, s26;
	v63 =	vld.idx.msk [tilespmem:v11+s13+$0x0], $0xffff  }
0x1bd: {  	s3 =	sor.u32 s28, s29;
	v14 =	vld [tilespmem:s1+$0x0]  }
0x1be: {  	v13 =	vld [tilespmem:s3+$0x0]  }
0x1bf: {  	v10 =	vld [tilespmem:s23+$0x80]  }
0x1c0: {  	v8 =	vld [tilespmem:s24+$0x80]  }
0x1c1: {  	[tilespmem:v12+s14+$0x0] =	vst.idx.add.f32.msk $0xffff, v63  }
0x1c2: {  	s30 =	rddreg [dreg:$0x1d];
	v11 =	vld.idx.msk [tilespmem:v9+s13+$0x0], $0xffff  }
0x1c3: {  	s31 =	rddreg [dreg:$0x1e];
	v12 =	vld.idx.msk [tilespmem:v15+s13+$0x0], $0xffff  }
0x1c4: {  	s0 =	simm.s32 $0x5;
	s2 =	sadd.s32 $0x50, s31;
	v9 =	vld [tilespmem:s1+$0x80];
	s1 =	sadd.s32 $0xA0, s30  }
.LBB2_9:
0x1c5: {  	s4 =	sadd.s32 $0xFFFFFFF0, s2;
	s5 =	sadd.s32 $0xFFFFFFE0, s1;
	s0 =	sadd.s32 $0x5, s0;
	v14 =	vld.idx.msk [tilespmem:v14+s13+$0x0], $0xffff  }
0x1c6: {  	s4 =	sand.u32 $0x70, s4;
	s5 =	sand.u32 $0x1FF00, s5;
	p1 =	slt.u32 s0, $0x26C;
	v13 =	vld.idx.msk [tilespmem:v13+s13+$0x0], $0xffff  }
0x1c7: {  	s6 =	sadd.s32 $0xFFFFFF80, s1;
	s7 =	sadd.s32 $0xFFFFFFD0, s2;
	s4 =	sor.u32 s4, s5;
	v15 =	vld [tilespmem:s3+$0x80]  }
0x1c8: {  	s8 =	sadd.s32 $0xFFFFFFC0, s1;
	s3 =	sadd.s32 $0xFFFFFFA0, s1;
	s5 =	sadd.s32 $0xFFFFFFE0, s2;
	v16 =	vld [tilespmem:s4+$0x0]  }
0x1c9: {  	s9 =	sadd.s32 $0xFFFFFFC0, s2;
	s6 =	sand.u32 $0xFF00, s6;
	s7 =	sand.u32 $0x70, s7;
	[tilespmem:v10+s14+$0x0] =	vst.idx.add.f32.msk $0xffff, v11  }
0x1ca: {  	s9 =	sand.u32 $0x70, s9;
	s3 =	sand.u32 $0x1FF00, s3;
	s5 =	sand.u32 $0x70, s5;
	[tilespmem:v8+s14+$0x0] =	vst.idx.add.f32.msk $0xffff, v12  }
0x1cb: {  	s10 =	sand.u32 $0x70, s2;
	s11 =	sand.u32 $0x1FF00, s1;
	s8 =	sand.u32 $0x1FF00, s8;
	[tilespmem:v7+s14+$0x0] =	vst.idx.add.f32.msk $0xffff, v6  }
0x1cc: {  	s6 =	sor.u32 s9, s6;
	s7 =	sor.u32 s7, s3;
	s5 =	sor.u32 s5, s8;
	v6 =	vmov v13;
	[tilespmem:v9+s14+$0x0] =	vst.idx.add.f32.msk $0xffff, v14;
	v7 =	vmov v15  }
0x1cd: {  	s3 =	sor.u32 s10, s11;
	v9 =	vld [tilespmem:s6+$0x0]  }
0x1ce: {  	v12 =	vld [tilespmem:s4+$0x80]  }
0x1cf: {  	v15 =	vld [tilespmem:s7+$0x0]  }
0x1d0: {  	v16 =	vld.idx.msk [tilespmem:v16+s13+$0x0], $0xffff  }
0x1d1: {  	v14 =	vld [tilespmem:s5+$0x0]  }
0x1d2: {  	v13 =	vld [tilespmem:s3+$0x0]  }
0x1d3: {  	v10 =	vld [tilespmem:s6+$0x80]  }
.Ltmp6:
0x1d4: {  	v8 =	vld [tilespmem:s7+$0x80];
	(pc) =	sbr.rel @p1 .LBB2_9-.Ltmp6, $4  }
0x1d5: {  	v11 =	vld.idx.msk [tilespmem:v9+s13+$0x0], $0xffff  }
0x1d6: {  	[tilespmem:v12+s14+$0x0] =	vst.idx.add.f32.msk $0xffff, v16  }
0x1d7: {  	v12 =	vld.idx.msk [tilespmem:v15+s13+$0x0], $0xffff  }
0x1d8: {  	s1 =	sadd.s32 $0xA0, s1;
	s2 =	sadd.s32 $0x50, s2;
	v9 =	vld [tilespmem:s5+$0x80]  }
0x1d9: {  	_ =	sdelay $0x1  }
0x1da: {  	v15 =	vld [tilespmem:s3+$0x80];
	_ =	sdelay $0x1  }
0x1db: {  	v14 =	vld.idx.msk [tilespmem:v14+s13+$0x0], $0xffff  }
0x1dc: {  	v13 =	vld.idx.msk [tilespmem:v13+s13+$0x0], $0xffff  }
0x1dd: {  	[tilespmem:v7+s14+$0x0] =	vst.idx.add.f32.msk $0xffff, v6  }
0x1de: {  	[tilespmem:v10+s14+$0x0] =	vst.idx.add.f32.msk $0xffff, v11  }
0x1df: {  	[tilespmem:v8+s14+$0x0] =	vst.idx.add.f32.msk $0xffff, v12  }
0x1e0: {  	[tilespmem:v9+s14+$0x0] =	vst.idx.add.f32.msk $0xffff, v14  }
0x1e1: {  	[tilespmem:v15+s14+$0x0] =	vst.idx.add.f32.msk $0xffff, v13  }
0x1e2: {  	s1 =	simm.s32 $0x80;
	s2 =	simm.s32 $0x400;
	s0 =	rddreg [dreg:$0x13]  }
0x1e3: {  	[spmem:s0] =	stream.strided.scatter [tilespmem:s14], [sflag:$0x1], $0x2800, s2, s1, $0x38;
	[tilespmem:$0x17000] =	vst v63  }
0x1e4: {  	_ =	swait.ge [sflag:s12], $0x2800  }
0x1e5: {  	[sflag:s12] =	ssyncset.done $0x0  }
0x1e6: {  	[sflag:s12] =	ssyncadd.s32 $0xFFFFD800  }
0x1e7: {  	s16 =	simm.s32 $0x1400;
	s17 =	simm.s32 $0x14000;
	[bflag:$0x0] =	sbarrier.arrive $0xFFFF  }
0x1e8: {  	s18 =	simm.s32 $0x11D80;
	s19 =	simm.s32 $0x0;
	s15 =	rddreg [dreg:$0x14]  }
0x1e9: {  	[tilespmem:s18], [sflag:$0x1] =	stream.strided.gather [spmem:s15], $0x2800, s17, s16, $0x38;
	[tilespmem:$0x17000] =	vst v63  }
0x1ea: {  	s20 =	simm.s32 $0x30;
	s4 =	sand.u32 $0x1C00, s19;
	_ =	swait.ge [sflag:s12], $0x2800  }
0x1eb: {  	s6 =	sand.u32 $0x70, s20;
	s11 =	sadd.s32 $0x11D80, s4;
	[sflag:s12] =	ssyncset.done $0x0  }
0x1ec: {  	s0 =	sor.u32 s6, s11;
	[sflag:s12] =	ssyncadd.s32 $0xFFFFD800  }
0x1ed: {  	v6 =	vld [tilespmem:s0+$0x0]  }
0x1ee: {  	v7 =	vld [tilespmem:s0+$0x80]  }
0x1ef: {  	v8 =	vld [tilespmem:s0+$0x100]  }
0x1f0: {  	v9 =	vld [tilespmem:s0+$0x180]  }
0x1f1: {  	v10 =	vld [tilespmem:s0+$0x200]  }
0x1f2: {  	v11 =	vld [tilespmem:s0+$0x280]  }
0x1f3: {  	s10 =	sadd.s32 $0x13180, s4;
	v12 =	vld [tilespmem:s0+$0x300]  }
0x1f4: {  	s9 =	sadd.s32 $0x13200, s4;
	s21 =	sor.u32 s6, s10;
	v13 =	vld [tilespmem:s0+$0x380]  }
0x1f5: {  	s8 =	sadd.s32 $0x13280, s4;
	s22 =	sor.u32 s6, s9;
	v14 =	vld [tilespmem:s21+$0x0]  }
0x1f6: {  	s7 =	sadd.s32 $0x13300, s4;
	s23 =	sor.u32 s6, s8;
	v15 =	vld [tilespmem:s22+$0x0]  }
0x1f7: {  	s5 =	sadd.s32 $0x13400, s4;
	s24 =	sor.u32 s6, s7;
	v16 =	vld [tilespmem:s23+$0x0]  }
0x1f8: {  	s3 =	sadd.s32 $0x13480, s4;
	s26 =	sor.u32 s6, s5;
	v17 =	vld [tilespmem:s24+$0x0]  }
0x1f9: {  	s28 =	sor.u32 s6, s3;
	s2 =	sand.u32 $0x40, s19;
	v19 =	vld [tilespmem:s26+$0x0]  }
0x1fa: {  	s29 =	sor.u32 s2, s11;
	v20 =	vld [tilespmem:s28+$0x0]  }
0x1fb: {  	v21 =	vld [tilespmem:s29+$0x0]  }
0x1fc: {  	v23 =	vld [tilespmem:s29+$0x80]  }
0x1fd: {  	v26 =	vld [tilespmem:s29+$0x100]  }
0x1fe: {  	v28 =	vld [tilespmem:s29+$0x180]  }
0x1ff: {  	v30 =	vld [tilespmem:s29+$0x200]  }
0x200: {  	v32 =	vld [tilespmem:s29+$0x280]  }
0x201: {  	v33 =	vld [tilespmem:s29+$0x300]  }
0x202: {  	s19 =	sor.u32 s2, s8;
	v34 =	vld [tilespmem:s29+$0x380]  }
0x203: {  	s0 =	sadd.s32 $0x13380, s4;
	v55 =	vld [tilespmem:s19+$0x0];
	s29 =	sor.u32 s2, s3  }
0x204: {  	s30 =	simm.s32 $0x10;
	s1 =	sadd.s32 $0x13500, s4;
	s25 =	sor.u32 s6, s0;
	v61 =	vld [tilespmem:s29+$0x0]  }
0x205: {  	s4 =	sand.u32 $0x50, s30;
	s6 =	sor.u32 s6, s1;
	v18 =	vld [tilespmem:s25+$0x0]  }
0x206: {  	s31 =	sor.u32 s4, s11;
	v22 =	vld [tilespmem:s6+$0x0]  }
0x207: {  	v24 =	vld [tilespmem:s31+$0x0]  }
0x208: {  	v25 =	vld [tilespmem:s31+$0x80]  }
0x209: {  	v27 =	vld [tilespmem:s31+$0x100]  }
0x20a: {  	v29 =	vld [tilespmem:s31+$0x180]  }
0x20b: {  	s14 =	simm.s32 $0x20;
	v31 =	vld [tilespmem:s31+$0x200]  }
0x20c: {  	v35 =	vld [tilespmem:s31+$0x280];
	s6 =	sand.u32 $0x60, s14  }
0x20d: {  	v36 =	vld [tilespmem:s31+$0x300];
	s11 =	sor.u32 s6, s11;
	v6 =	vadd.f32 v7, v6  }
0x20e: {  	v7 =	vld [tilespmem:s11+$0x0]  }
0x20f: {  	v6 =	vadd.f32 v8, v6;
	v8 =	vld [tilespmem:s11+$0x80]  }
0x210: {  	v37 =	vld [tilespmem:s31+$0x380]  }
0x211: {  	s16 =	sor.u32 s4, s10;
	v38 =	vld [tilespmem:s11+$0x100];
	v6 =	vadd.f32 v9, v6  }
0x212: {  	v52 =	vld [tilespmem:s16+$0x0];
	v21 =	vadd.f32 v23, v21  }
0x213: {  	s18 =	sor.u32 s4, s9;
	v9 =	vld [tilespmem:s11+$0x180];
	v6 =	vadd.f32 v10, v6  }
0x214: {  	v54 =	vld [tilespmem:s18+$0x0];
	v21 =	vadd.f32 v26, v21;
	v7 =	vadd.f32 v8, v7  }
0x215: {  	s20 =	sor.u32 s4, s8;
	v39 =	vld [tilespmem:s11+$0x200];
	v24 =	vadd.f32 v25, v24;
	v6 =	vadd.f32 v11, v6  }
0x216: {  	v56 =	vld [tilespmem:s20+$0x0];
	v21 =	vadd.f32 v28, v21;
	v7 =	vadd.f32 v38, v7  }
0x217: {  	s22 =	sor.u32 s4, s7;
	v10 =	vld [tilespmem:s11+$0x280];
	v6 =	vadd.f32 v12, v6;
	v12 =	vadd.f32 v27, v24  }
0x218: {  	v57 =	vld [tilespmem:s22+$0x0];
	v7 =	vadd.f32 v9, v7;
	v9 =	vadd.f32 v30, v21  }
0x219: {  	s15 =	sor.u32 s2, s10;
	v51 =	vld [tilespmem:s11+$0x300];
	v6 =	vadd.f32 v13, v6;
	v12 =	vadd.f32 v29, v12  }
0x21a: {  	v8 =	vld [tilespmem:s15+$0x0];
	v7 =	vadd.f32 v39, v7;
	v9 =	vadd.f32 v32, v9  }
0x21b: {  	s10 =	sor.u32 s6, s10;
	v11 =	vld [tilespmem:s11+$0x380];
	v6 =	vadd.f32 v14, v6;
	v12 =	vadd.f32 v31, v12  }
0x21c: {  	s17 =	sor.u32 s2, s9;
	v53 =	vld [tilespmem:s10+$0x0];
	v7 =	vadd.f32 v10, v7;
	v9 =	vadd.f32 v33, v9  }
0x21d: {  	s21 =	sor.u32 s2, s7;
	s7 =	sor.u32 s6, s7;
	v13 =	vld [tilespmem:s17+$0x0];
	v6 =	vadd.f32 v15, v6;
	v12 =	vadd.f32 v35, v12  }
0x21e: {  	s9 =	sor.u32 s6, s9;
	v58 =	vld [tilespmem:s7+$0x0];
	v7 =	vadd.f32 v51, v7;
	v9 =	vadd.f32 v34, v9  }
0x21f: {  	s8 =	sor.u32 s6, s8;
	v14 =	vld [tilespmem:s9+$0x0];
	v6 =	vadd.f32 v16, v6;
	v12 =	vadd.f32 v36, v12  }
0x220: {  	s23 =	sor.u32 s2, s0;
	v10 =	vld [tilespmem:s8+$0x0];
	v7 =	vadd.f32 v11, v7;
	v8 =	vadd.f32 v8, v9  }
0x221: {  	s24 =	sor.u32 s4, s0;
	s25 =	sor.u32 s6, s0;
	s0 =	simm.s32 $0x10C20;
	v15 =	vld [tilespmem:s21+$0x0];
	v6 =	vadd.f32 v17, v6;
	v12 =	vadd.f32 v37, v12  }
0x222: {  	v59 =	vld [tilespmem:s0+$0x10];
	v7 =	vadd.f32 v53, v7;
	v8 =	vadd.f32 v13, v8  }
0x223: {  	v9 =	vld [tilespmem:s23+$0x0];
	v6 =	vadd.f32 v18, v6;
	v11 =	vadd.f32 v52, v12  }
0x224: {  	v13 =	vld [tilespmem:s25+$0x0];
	v7 =	vadd.f32 v14, v7;
	v8 =	vadd.f32 v55, v8  }
0x225: {  	s26 =	sor.u32 s2, s5;
	v12 =	vld [tilespmem:s24+$0x0];
	v6 =	vadd.f32 v19, v6;
	v11 =	vadd.f32 v54, v11  }
0x226: {  	s28 =	sor.u32 s4, s5;
	s5 =	sor.u32 s6, s5;
	v14 =	vld [tilespmem:s26+$0x0];
	v7 =	vadd.f32 v10, v7;
	v8 =	vadd.f32 v15, v8  }
0x227: {  	v15 =	vld [tilespmem:s5+$0x0];
	v6 =	vadd.f32 v20, v6;
	v11 =	vadd.f32 v56, v11  }
0x228: {  	s30 =	sor.u32 s4, s3;
	v60 =	vld [tilespmem:s28+$0x0];
	s3 =	sor.u32 s6, s3;
	v62 =	vadd.f32 v58, v7;
	v8 =	vadd.f32 v9, v8  }
0x229: {  	v63 =	vmul.f32 $6.400000000e+01, v59;
	v7 =	vld [tilespmem:s3+$0x0];
	v10 =	vadd.f32 v22, v6;
	v11 =	vadd.f32 v57, v11  }
0x22a: {  	s4 =	sor.u32 s4, s1;
	v6 =	vld [tilespmem:s30+$0x0];
	v13 =	vadd.f32 v13, v62  }
0x22b: {  	s2 =	sor.u32 s2, s1;
	v14 =	vadd.f32 v14, v8;
	v8 =	vld [tilespmem:s4+$0x0];
	v9 =	vadd.f32 v12, v11;
	v11 =	vmul.f32 v63, v10  }
0x22c: {  	s31 =	sor.u32 s6, s1;
	s3 =	simm.s32 $0x0;
	v10 =	vld [tilespmem:s2+$0x0];
	v13 =	vadd.f32 v15, v13  }
0x22d: {  	s16 =	simm.s32 $0x0;
	s4 =	simm.s32 $0x200;
	s2 =	simm.s32 $0x40;
	v12 =	vadd.f32 v60, v9;
	[tilespmem:s3+$0x113B0] =	vst v11;
	v11 =	vadd.f32 v61, v14;
	v9 =	vld [tilespmem:s31+$0x0]  }
.LBB2_11:
0x22e: {  	s9 =	sand.u32 $0x1C00, s4;
	s6 =	sadd.s32 $0x30, s2  }
0x22f: {  	s13 =	sadd.s32 $0x11D80, s9;
	s8 =	sand.u32 $0x70, s6  }
0x230: {  	v14 =	vld [tilespmem:s0+$0xFFFFFFE0];
	s14 =	sor.u32 s8, s13  }
0x231: {  	v15 =	vld [tilespmem:s14+$0x100]  }
0x232: {  	s11 =	sand.u32 $0x40, s2;
	v6 =	vadd.f32 v6, v12;
	v12 =	vld [tilespmem:s0+$0xFFFFFFF0]  }
0x233: {  	s7 =	sor.u32 s11, s13;
	v10 =	vadd.f32 v10, v11;
	v11 =	vld [tilespmem:s0+$0x0]  }
0x234: {  	v16 =	vld [tilespmem:s7+$0x80]  }
0x235: {  	v7 =	vadd.f32 v7, v13;
	v13 =	vld [tilespmem:s14+$0x0];
	v14 =	vmul.f32 $6.400000000e+01, v14  }
0x236: {  	v6 =	vadd.f32 v8, v6;
	v8 =	vld [tilespmem:s14+$0x80]  }
0x237: {  	s5 =	sadd.s32 $0x10, s2;
	v7 =	vadd.f32 v9, v7;
	v9 =	vld [tilespmem:s7+$0x0];
	v10 =	vmul.f32 v14, v10;
	v12 =	vmul.f32 $6.400000000e+01, v12  }
0x238: {  	s12 =	sand.u32 $0x50, s5;
	v14 =	vld [tilespmem:s14+$0x180];
	v11 =	vmul.f32 $6.400000000e+01, v11  }
0x239: {  	s6 =	sor.u32 s12, s13;
	[tilespmem:s3+$0x11380] =	vst v10;
	v10 =	vld [tilespmem:s14+$0x200];
	v6 =	vmul.f32 v12, v6  }
0x23a: {  	v12 =	vld [tilespmem:s6+$0x0];
	v7 =	vmul.f32 v11, v7  }
0x23b: {  	s19 =	sadd.s32 $0x20, s2;
	v8 =	vadd.f32 v8, v13;
	v13 =	vld [tilespmem:s14+$0x300];
	[tilespmem:s3+$0x11390] =	vst v6  }
0x23c: {  	s10 =	sand.u32 $0x60, s19;
	[tilespmem:s3+$0x113A0] =	vst v7;
	v7 =	vadd.f32 v16, v9;
	v9 =	vld [tilespmem:s14+$0x280]  }
0x23d: {  	s5 =	sor.u32 s10, s13;
	v8 =	vadd.f32 v15, v8;
	v6 =	vld [tilespmem:s6+$0x80]  }
0x23e: {  	v11 =	vld [tilespmem:s5+$0x0]  }
0x23f: {  	v15 =	vld [tilespmem:s6+$0x100];
	v8 =	vadd.f32 v14, v8  }
0x240: {  	v14 =	vld [tilespmem:s5+$0x80]  }
0x241: {  	v63 =	vld [tilespmem:s5+$0x280];
	v8 =	vadd.f32 v10, v8  }
0x242: {  	s20 =	sadd.s32 $0x13180, s9;
	v10 =	vld [tilespmem:s14+$0x380]  }
0x243: {  	s22 =	sor.u32 s8, s20;
	v6 =	vadd.f32 v6, v12;
	v12 =	vld [tilespmem:s7+$0x100];
	v8 =	vadd.f32 v9, v8  }
0x244: {  	s23 =	sadd.s32 $0x13200, s9;
	v9 =	vld [tilespmem:s22+$0x0]  }
0x245: {  	s26 =	sor.u32 s8, s23;
	v11 =	vadd.f32 v14, v11;
	v14 =	vld [tilespmem:s5+$0x100];
	v8 =	vadd.f32 v13, v8  }
0x246: {  	s28 =	sadd.s32 $0x13280, s9;
	v13 =	vld [tilespmem:s26+$0x0]  }
0x247: {  	s30 =	sadd.s32 $0x13300, s9;
	s15 =	sadd.s32 $0x13400, s9;
	s29 =	sor.u32 s8, s28;
	v6 =	vadd.f32 v15, v6;
	v15 =	vld [tilespmem:s6+$0x180];
	v8 =	vadd.f32 v10, v8  }
0x248: {  	s1 =	sor.u32 s11, s20;
	s21 =	sor.u32 s12, s20;
	s24 =	sor.u32 s10, s20;
	v10 =	vld [tilespmem:s29+$0x0]  }
0x249: {  	s25 =	sor.u32 s12, s23;
	s31 =	sor.u32 s8, s30;
	[dreg:$0x10] =	wrdreg s1;
	v7 =	vadd.f32 v12, v7;
	v12 =	vld [tilespmem:s7+$0x180];
	v8 =	vadd.f32 v9, v8  }
0x24a: {  	s20 =	sor.u32 s11, s28;
	[dreg:$0xd] =	wrdreg s21;
	s1 =	sadd.s32 $0x13380, s9;
	v9 =	vld [tilespmem:s31+$0x0]  }
0x24b: {  	s18 =	sor.u32 s12, s28;
	[dreg:$0xf] =	wrdreg s24;
	s14 =	sor.u32 s8, s1;
	v11 =	vadd.f32 v14, v11;
	v14 =	vld [tilespmem:s5+$0x180];
	v8 =	vadd.f32 v13, v8  }
0x24c: {  	s21 =	sor.u32 s12, s30;
	s24 =	sor.u32 s12, s1;
	s31 =	sor.u32 s8, s15;
	v13 =	vld [tilespmem:s14+$0x0]  }
0x24d: {  	s22 =	sor.u32 s10, s28;
	s28 =	sor.u32 s12, s15;
	s26 =	sor.u32 s11, s1;
	v8 =	vadd.f32 v10, v8;
	v10 =	vld [tilespmem:s31+$0x0]  }
0x24e: {  	s29 =	sor.u32 s10, s1;
	s1 =	sadd.s32 $0x13480, s9;
	s9 =	sadd.s32 $0x13500, s9;
	v7 =	vadd.f32 v12, v7;
	v12 =	vld [tilespmem:s7+$0x200]  }
0x24f: {  	s13 =	sor.u32 s11, s1;
	s3 =	sor.u32 s8, s1;
	v6 =	vadd.f32 v15, v6;
	v15 =	vld [tilespmem:s6+$0x200];
	s14 =	sor.u32 s10, s1;
	v8 =	vadd.f32 v9, v8  }
0x250: {  	s31 =	sor.u32 s12, s1;
	s1 =	sor.u32 s12, s9;
	s12 =	sor.u32 s8, s9;
	v9 =	vld [tilespmem:s3+$0x0]  }
0x251: {  	s0 =	sadd.s32 $0x40, s0;
	v11 =	vadd.f32 v14, v11;
	v14 =	vld [tilespmem:s12+$0x0];
	v8 =	vadd.f32 v13, v8  }
0x252: {  	v13 =	vld [tilespmem:s0+$0x10]  }
0x253: {  	v7 =	vadd.f32 v12, v7;
	v12 =	vld [tilespmem:s7+$0x280];
	v8 =	vadd.f32 v10, v8  }
0x254: {  	v10 =	vld [tilespmem:s5+$0x200]  }
0x255: {  	v6 =	vadd.f32 v15, v6;
	v15 =	vld [tilespmem:s6+$0x300];
	v8 =	vadd.f32 v9, v8  }
0x256: {  	v9 =	vld [tilespmem:s6+$0x280]  }
0x257: {  	s17 =	sor.u32 s11, s23;
	s19 =	sor.u32 s10, s23;
	s23 =	sor.u32 s11, s30;
	v8 =	vadd.f32 v14, v8;
	v14 =	vld [tilespmem:s7+$0x300]  }
0x258: {  	[dreg:$0xe] =	wrdreg s25;
	s25 =	sor.u32 s10, s30;
	s30 =	sor.u32 s11, s15;
	v13 =	vmul.f32 $6.400000000e+01, v13;
	v7 =	vadd.f32 v12, v7;
	v12 =	vld [tilespmem:s7+$0x380]  }
0x259: {  	s11 =	sor.u32 s11, s9;
	s8 =	sor.u32 s10, s9;
	s9 =	rddreg [dreg:$0x10];
	v10 =	vadd.f32 v10, v11;
	v11 =	vld [tilespmem:s5+$0x300]  }
0x25a: {  	v8 =	vmul.f32 v13, v8;
	v13 =	vld [tilespmem:s9+$0x0]  }
0x25b: {  	s3 =	sshra.s32 s4, $0x2;
	v6 =	vadd.f32 v9, v6;
	v9 =	vadd.f32 v63, v10;
	v10 =	vld [tilespmem:s5+$0x380]  }
0x25c: {  	s15 =	sor.u32 s10, s15;
	s10 =	rddreg [dreg:$0xd];
	[tilespmem:s3+$0x113B0] =	vst v8;
	v8 =	vld [tilespmem:s6+$0x380]  }
0x25d: {  	v7 =	vadd.f32 v14, v7;
	v14 =	vld [tilespmem:s10+$0x0]  }
0x25e: {  	s12 =	rddreg [dreg:$0xf];
	v6 =	vadd.f32 v15, v6;
	v15 =	vld [tilespmem:s13+$0x0]  }
0x25f: {  	v9 =	vadd.f32 v11, v9;
	v11 =	vld [tilespmem:s12+$0x0]  }
0x260: {  	v7 =	vadd.f32 v12, v7;
	v12 =	vld [tilespmem:s17+$0x0]  }
0x261: {  	s17 =	rddreg [dreg:$0xe];
	v9 =	vadd.f32 v10, v9;
	v10 =	vld [tilespmem:s19+$0x0]  }
0x262: {  	v6 =	vadd.f32 v8, v6;
	v8 =	vld [tilespmem:s17+$0x0]  }
0x263: {  	v7 =	vadd.f32 v13, v7;
	v13 =	vld [tilespmem:s20+$0x0]  }
0x264: {  	v6 =	vadd.f32 v14, v6;
	v14 =	vld [tilespmem:s18+$0x0]  }
0x265: {  	v9 =	vadd.f32 v11, v9;
	v11 =	vld [tilespmem:s22+$0x0]  }
0x266: {  	v7 =	vadd.f32 v12, v7;
	v12 =	vld [tilespmem:s23+$0x0]  }
0x267: {  	v9 =	vadd.f32 v10, v9;
	v10 =	vld [tilespmem:s25+$0x0]  }
0x268: {  	v6 =	vadd.f32 v8, v6;
	v8 =	vld [tilespmem:s21+$0x0]  }
0x269: {  	v7 =	vadd.f32 v13, v7;
	v13 =	vld [tilespmem:s26+$0x0]  }
0x26a: {  	v6 =	vadd.f32 v14, v6;
	v14 =	vld [tilespmem:s24+$0x0]  }
0x26b: {  	v9 =	vadd.f32 v11, v9;
	v11 =	vld [tilespmem:s29+$0x0]  }
0x26c: {  	v7 =	vadd.f32 v12, v7;
	v12 =	vld [tilespmem:s30+$0x0]  }
0x26d: {  	s16 =	sadd.s32 $0x4, s16;
	v6 =	vadd.f32 v8, v6;
	v8 =	vld [tilespmem:s28+$0x0]  }
0x26e: {  	p1 =	slt.u32 s16, $0x24;
	v7 =	vadd.f32 v13, v7;
	v13 =	vld [tilespmem:s15+$0x0]  }
.Ltmp7:
0x26f: {  	v9 =	vadd.f32 v10, v9;
	v10 =	vld [tilespmem:s11+$0x0];
	(pc) =	sbr.rel @p1 .LBB2_11-.Ltmp7, $4  }
0x270: {  	v14 =	vadd.f32 v14, v6;
	v6 =	vld [tilespmem:s31+$0x0]  }
0x271: {  	v9 =	vadd.f32 v11, v9;
	v11 =	vadd.f32 v12, v7;
	v7 =	vld [tilespmem:s14+$0x0]  }
0x272: {  	v12 =	vadd.f32 v8, v14;
	v8 =	vld [tilespmem:s1+$0x0]  }
0x273: {  	s2 =	sadd.s32 $0x40, s2;
	s4 =	sadd.s32 $0x200, s4;
	v13 =	vadd.f32 v13, v9;
	v11 =	vadd.f32 v15, v11;
	v9 =	vld [tilespmem:s8+$0x0]  }
0x274: {  	v14 =	vld [tilespmem:s0+$0xFFFFFFE0]  }
0x275: {  	v15 =	vld [tilespmem:s0+$0xFFFFFFF0]  }
0x276: {  	v16 =	vld [tilespmem:s0+$0x0];
	_ =	sdelay $0x1  }
0x277: {  	v6 =	vadd.f32 v6, v12  }
0x278: {  	v10 =	vadd.f32 v10, v11;
	v7 =	vadd.f32 v7, v13;
	v60 =	vmul.f32 $6.400000000e+01, v14  }
0x279: {  	v6 =	vadd.f32 v8, v6;
	v61 =	vmul.f32 $6.400000000e+01, v15  }
0x27a: {  	v7 =	vadd.f32 v9, v7;
	v63 =	vmul.f32 $6.400000000e+01, v16;
	v62 =	vmul.f32 v60, v10  }
0x27b: {  	v6 =	vmul.f32 v61, v6  }
0x27c: {  	v7 =	vmul.f32 v63, v7;
	[tilespmem:s3+$0x11380] =	vst v62  }
0x27d: {  	[tilespmem:s3+$0x11390] =	vst v6  }
0x27e: {  	s11 =	simm.s32 $0x0;
	[tilespmem:s3+$0x113A0] =	vst v7  }
0x27f: {  	s1 =	simm.s32 $0x10E80;
	s12 =	simm.s32 $0x1;
	s26 =	rddreg [dreg:$0x16]  }
0x280: {  	[hbm4b:s26+s11] =	stream.linear.scatter [tilespmem:s1], [sflag:$0x1], $0x500, $0x38;
	[tilespmem:$0x17000] =	vst v63  }
0x281: {  	_ =	swait.ge [sflag:s12], $0x500  }
0x282: {  	[sflag:s12] =	ssyncset.done $0x0  }
0x283: {  	s29 =	simm.s32 $0x11380;
	s28 =	rddreg [dreg:$0x18];
	[sflag:s12] =	ssyncadd.s32 $0xFFFFFB00  }
0x284: {  	[hbm4b:s28+s11] =	stream.linear.scatter [tilespmem:s29], [sflag:$0x1], $0x500, $0x38;
	[tilespmem:$0x17000] =	vst v63  }
0x285: {  	_ =	swait.ge [sflag:s12], $0x500  }
0x286: {  	s31 =	simm.s32 $0x11880;
	[sflag:s12] =	ssyncset.done $0x0  }
.Ltmp8:
0x287: {  	s30 =	rddreg [dreg:$0x19];
	[sflag:s12] =	ssyncadd.s32 $0xFFFFFB00;
	(pc) =	sbr.rel .LBB2_13-.Ltmp8, $4  }
0x288: {  	[hbm4b:s30+s11] =	stream.linear.scatter [tilespmem:s31], [sflag:$0x1], $0x500, $0x38;
	[tilespmem:$0x17000] =	vst v63  }
0x289: {  	_ =	swait.ge [sflag:s12], $0x500  }
0x28a: {  	s17 =	simm.s32 $0x4F00;
	[sflag:s12] =	ssyncset.done $0x0;
	s2 =	rddreg [dreg:$0x1a]  }
0x28b: {  	s13 =	simm.s32 $0x9180;
	s0 =	rddreg [dreg:$0x1c];
	[sflag:s12] =	ssyncadd.s32 $0xFFFFFB00  }
.LBB2_14:
0x28c: {  	_ =	sfence.sel $0x180000  }
0x28d: {  	[bflag:$0x0] =	sbarrier.arrive $0xFFFF  }
0x28e: {  	_ =	strace $0x90000047  }
0x28f: {  	s0 =	stileid.u32;
	[bflag:$0x2] =	sbarrier.arrive $0xFFFF  }
0x290: {  	p0 =	sne.s32 s0, $0x0;
	s0 =	rddreg [dreg:$0x5]  }
0x291: {  	s0 =	sadd.s32 @!p0 $0x100000, s0  }
0x292: {  	[sflag:s0] =	ssyncadd.tile.s32 @!p0 $0x1;
	_ =	shalt  }
.Lfunc_end2:
_tile_overlayer_lowered:
.L_overlay_start_2:
0x293: {  	(tag) =	ssettag $0x2  }
0x294: {  	s0 =	rddreg [dreg:$0x0];
	s2 =	stileid.u32  }
0x295: {  	s1 =	rddreg [dreg:$0x1];
	p0 =	sne.s32 s2, $0x0  }
0x296: {  	s3 =	rddreg [dreg:$0x2];
	[bflag:$0x3] =	sbarrier.arrive $0xFFFF;
	s2 =	simm.s32 @!p0 $0x1C01  }
0x297: {  	[timem:s3], [sflag:s2] =	dma.local @!p0 [hbm:s0], s1  }
0x298: {  	s0 =	simm.s32 @!p0 $0x1  }
0x299: {  	_ =	swait.ge @!p0 [sflag:s0], s1  }
0x29a: {  	s1 =	ssub.s32 @!p0 $0x0, s1;
	[sflag:s0] =	ssyncset.done @!p0 $0x0  }
0x29b: {  	[sflag:s0] =	ssyncadd.s32 @!p0 s1  }
0x29c: {  	[bflag:$0x3] =	sbarrier.arrive $0xFFFF  }
0x29d: {  	_ =	shalt  }

</sc_bundles>
